<compile_context>
chip_gen: v7x
topology: tpu7x:2x2x1
jax: 0.10.2.dev20260603
libtpu: 0.0.44.dev20260713+nightly
codegen_flags: <defaults>
</compile_context>

<pallas_src>
import functools

import jax
import jax.numpy as jnp
from jax import lax
from jax.experimental import pallas as pl
from jax.experimental.pallas import tpu as pltpu
from jax.experimental.pallas import tpu_sc as plsc

T = 8192
D = 2048
E = 16
TB = 1024

NC = 2
NS = 16
L = 16
NW = NC * NS
C = T // NW


def _logits_block(inp_ref, w_ref, b_ref, out_ref):
    x = inp_ref[...]
    w = w_ref[...]
    b = b_ref[...]
    out_ref[...] = jax.lax.dot_general(
        w, x, (((1,), (1,)), ((), ())),
        preferred_element_type=jnp.float32) + b


def _tc_logits(inp, W, b):
    bcol = b.reshape(E, 1)
    return pl.pallas_call(
        _logits_block,
        grid=(T // TB,),
        in_specs=[
            pl.BlockSpec((TB, D), lambda i: (i, 0)),
            pl.BlockSpec((E, D), lambda i: (0, 0)),
            pl.BlockSpec((E, 1), lambda i: (0, 0)),
        ],
        out_specs=pl.BlockSpec((E, TB), lambda i: (0, i)),
        out_shape=jax.ShapeDtypeStruct((E, T), jnp.float32),
    )(inp, W, bcol)


@functools.partial(
    pl.kernel,
    out_type=jax.ShapeDtypeStruct((T * E,), jnp.float32),
    mesh=plsc.VectorSubcoreMesh(
        core_axis_name="c", subcore_axis_name="s", num_cores=NC),
    scratch_types=[
        pltpu.VMEM((E, C), jnp.float32),
        pltpu.VMEM((C * E,), jnp.float32),
    ],
    compiler_params=pltpu.CompilerParams(
        needs_layout_passes=False,
        skip_device_barrier=True,
        disable_bounds_checks=True,
        disable_semaphore_checks=True,
    ),
)
def _sc_route(logt_hbm, out_hbm, lt_v, out_v):
    wid = lax.axis_index("s") * NC + lax.axis_index("c")
    base = wid * C
    pltpu.sync_copy(logt_hbm.at[:, pl.ds(base, C)], lt_v)

    zeros = jnp.zeros((L,), jnp.float32)
    lane = lax.iota(jnp.int32, L)
    neg_inf = jnp.full((L,), -jnp.inf, jnp.float32)
    izero = jnp.zeros((L,), jnp.int32)

    def tile_body(t, carry):
        tok0 = t * L
        m1 = lt_v[0, pl.ds(tok0, L)]
        a1 = izero
        m2 = neg_inf
        a2 = izero
        for e in range(1, E):
            v = lt_v[e, pl.ds(tok0, L)]
            gt1 = v > m1
            gt2 = v > m2
            a2 = jnp.where(gt1, a1, jnp.where(gt2, e, a2))
            m2 = jnp.where(gt1, m1, jnp.where(gt2, v, m2))
            a1 = jnp.where(gt1, e, a1)
            m1 = jnp.where(gt1, v, m1)
        w1 = 1.0 / (1.0 + jnp.exp(m2 - m1))
        w2 = 1.0 - w1
        flat0 = tok0 * E
        for r in range(L):
            out_v[pl.ds(flat0 + r * E, L)] = zeros
        pos = flat0 + lane * E
        plsc.store_scatter(out_v, [pos + a1], w1)
        plsc.store_scatter(out_v, [pos + a2], w2)
        return carry

    lax.fori_loop(0, C // L, tile_body, 0)
    pltpu.sync_copy(out_v, out_hbm.at[pl.ds(base * E, C * E)])


@jax.jit
def kernel(inp, W, b):
    logt = _tc_logits(inp, W, b)
    return _sc_route(logt).reshape(T, E)

# --- scband reference (transcript-rebuilt; emitter-appended) ---
"""Pipeline reference for scband-naive-gate-54211077210522 (READ-ONLY COPY).

The authoritative reference and input builder live on the scoring server;
editing this copy changes nothing except your own understanding.
"""

import jax, jax.numpy as jnp
import numpy as np

T = 8192
D = 2048
E = 16
K = 2

def setup_inputs(seed: int = 0) -> dict:
    key = jax.random.key(seed)
    k1, k2, k3 = jax.random.split(key, 3)
    inp = jax.random.normal(k1, (T, D), dtype=jnp.float32)
    # nn.Linear(d_model, tot_expert): weight [E, D], bias [E]
    bound = 1.0 / np.sqrt(D)
    W = jax.random.uniform(k2, (E, D), dtype=jnp.float32, minval=-bound, maxval=bound)
    b = jax.random.uniform(k3, (E,), dtype=jnp.float32, minval=-bound, maxval=bound)
    return {"inp": inp, "W": W, "b": b}

def reference(inp, W, b):
    # gate = self.gate(inp)
    gate = inp @ W.T + b
    # top-k (sorted flag irrelevant: softmax+scatter result is permutation invariant)
    top_k_logits, top_k_indices = jax.lax.top_k(gate, K)
    top_k_gates = jax.nn.softmax(top_k_logits, axis=-1)
    zeros = jnp.zeros_like(gate, dtype=jnp.float32)
    rows = jnp.arange(gate.shape[0])[:, None]
    gates = zeros.at[rows, top_k_indices].set(top_k_gates)
    return gates

if __name__ == "__main__":
    import jax
    _d = setup_inputs()
    print(jax.jit(kernel)(*tuple(_d.values())))

</pallas_src>

<mosaic_0001>
#map = affine_map<(d0, d1) -> (0, 0)>
#map1 = affine_map<(d0, d1) -> (0)>
module attributes {stable_mosaic.version = 14 : i64} {
  func.func @_sc_route(%arg0: i32, %arg1: i32, %arg2: memref<16x8192xf32, #tpu.memory_space<hbm>>, %arg3: memref<131072xf32, #tpu.memory_space<hbm>>, %arg4: memref<16x256xf32, #tpu.memory_space<vmem>>, %arg5: memref<4096xf32, #tpu.memory_space<vmem>>) attributes {dimension_semantics = [#tpu.dimension_semantics<core_parallel>, #tpu.dimension_semantics<subcore_parallel>], iteration_bounds = array<i64: 2, 16>, scalar_prefetch = 0 : i64, scratch_operands = 2 : i64, tpu.core_type = #tpu.core_type<sc_vector_subcore>, window_params = [{transform_indices = #map}, {transform_indices = #map1}]} {
    %mul3A = arith.constant 2 : i32
    %mul3A_0 = arith.muli %arg1, %mul3A : i32
    %add3A = arith.addi %mul3A_0, %arg0 : i32
    %mul3A_1 = arith.constant 256 : i32
    %mul3A_2 = arith.muli %add3A, %mul3A_1 : i32
    "tpu.region"() ({
      %run_scoped3A = tpu.sem_alloc : memref<!tpu.dma_semaphore, #tpu.memory_space<semaphore_mem>>
      %dma_start3A = arith.constant 0 : i32
      %dma_start3A_15 = tpu.memref_slice %arg2[%dma_start3A, %mul3A_2] : memref<16x8192xf32, #tpu.memory_space<hbm>> -> memref<16x256xf32, #tpu.memory_space<hbm>>
      %dma_start3A_16 = arith.constant 0 : i32
      %dma_start3A_17 = tpu.memref_slice %arg2[%dma_start3A_16, %mul3A_2] : memref<16x8192xf32, #tpu.memory_space<hbm>> -> memref<16x256xf32, #tpu.memory_space<hbm>>
      tpu.enqueue_dma source(%dma_start3A_17 : memref<16x256xf32, #tpu.memory_space<hbm>>) target(%arg4 : memref<16x256xf32, #tpu.memory_space<vmem>>) target_semaphore(%run_scoped3A : memref<!tpu.dma_semaphore, #tpu.memory_space<semaphore_mem>>)
      %dma_wait3A = arith.constant 0 : i32
      %dma_wait3A_18 = tpu.memref_slice %arg2[%dma_wait3A, %mul3A_2] : memref<16x8192xf32, #tpu.memory_space<hbm>> -> memref<16x256xf32, #tpu.memory_space<hbm>>
      %dma_wait3A_19 = arith.constant 0 : i32
      %dma_wait3A_20 = tpu.memref_slice %arg2[%dma_wait3A_19, %mul3A_2] : memref<16x8192xf32, #tpu.memory_space<hbm>> -> memref<16x256xf32, #tpu.memory_space<hbm>>
      tpu.wait_dma2 semaphore(%run_scoped3A : memref<!tpu.dma_semaphore, #tpu.memory_space<semaphore_mem>>) src(%dma_wait3A_20 : memref<16x256xf32, #tpu.memory_space<hbm>>) dst(%arg4 : memref<16x256xf32, #tpu.memory_space<vmem>>)
      tpu.yield
    }) : () -> ()
    %broadcast_in_dim3A = arith.constant 0.000000e+00 : f32
    %broadcast_in_dim3A_3 = vector.broadcast %broadcast_in_dim3A : f32 to vector<16xf32>
    %iota3A = tpu.iota {dimensions = array<i32: 0>} : vector<16xi32>
    %broadcast_in_dim3A_4 = arith.constant 0xFF800000 : f32
    %broadcast_in_dim3A_5 = vector.broadcast %broadcast_in_dim3A_4 : f32 to vector<16xf32>
    %broadcast_in_dim3A_6 = arith.constant 0 : i32
    %broadcast_in_dim3A_7 = vector.broadcast %broadcast_in_dim3A_6 : i32 to vector<16xi32>
    %scan3A = arith.constant 0 : i32
    %scan3A_8 = arith.constant 0 : i32
    %scan3A_9 = arith.constant 16 : i32
    %scan3A_10 = arith.addi %scan3A_8, %scan3A_9 : i32
    %scan3A_11 = arith.constant 1 : i32
    scf.for %scan3A_15 = %scan3A_8 to %scan3A_10 step %scan3A_11  : i32 {
      %mul3A_16 = arith.constant 16 : i32
      %mul3A_17 = arith.muli %scan3A_15, %mul3A_16 : i32
      %get3A = arith.constant 0 : i32
      %get3A_18 = arith.index_cast %get3A : i32 to index
      %get3A_19 = arith.index_cast %mul3A_17 : i32 to index
      %get3A_20 = tpu.vector_load %arg4[%get3A_18, %get3A_19] {strides = array<i32>} : memref<16x256xf32, #tpu.memory_space<vmem>>, vector<16xf32>,
      %get3A_21 = arith.constant 1 : i32
      %get3A_22 = arith.index_cast %get3A_21 : i32 to index
      %get3A_23 = arith.index_cast %mul3A_17 : i32 to index
      %get3A_24 = tpu.vector_load %arg4[%get3A_22, %get3A_23] {strides = array<i32>} : memref<16x256xf32, #tpu.memory_space<vmem>>, vector<16xf32>,
      %gt3A = arith.cmpf ogt, %get3A_24, %get3A_20 : vector<16xf32>
      %gt3A_25 = arith.cmpf ogt, %get3A_24, %broadcast_in_dim3A_5 : vector<16xf32>
      %jit3A = arith.constant 1 : i32
      %broadcast_in_dim3A_26 = vector.broadcast %jit3A : i32 to vector<16xi32>
      %select_n3A = arith.select %gt3A_25, %broadcast_in_dim3A_26, %broadcast_in_dim3A_7 : vector<16xi1>, vector<16xi32>
      %select_n3A_27 = arith.select %gt3A, %broadcast_in_dim3A_7, %select_n3A : vector<16xi1>, vector<16xi32>
      %select_n3A_28 = arith.select %gt3A_25, %get3A_24, %broadcast_in_dim3A_5 : vector<16xi1>, vector<16xf32>
      %select_n3A_29 = arith.select %gt3A, %get3A_20, %select_n3A_28 : vector<16xi1>, vector<16xf32>
      %jit3A_30 = arith.constant 1 : i32
      %broadcast_in_dim3A_31 = vector.broadcast %jit3A_30 : i32 to vector<16xi32>
      %select_n3A_32 = arith.select %gt3A, %broadcast_in_dim3A_31, %broadcast_in_dim3A_7 : vector<16xi1>, vector<16xi32>
      %select_n3A_33 = arith.select %gt3A, %get3A_24, %get3A_20 : vector<16xi1>, vector<16xf32>
      %get3A_34 = arith.constant 2 : i32
      %get3A_35 = arith.index_cast %get3A_34 : i32 to index
      %get3A_36 = arith.index_cast %mul3A_17 : i32 to index
      %get3A_37 = tpu.vector_load %arg4[%get3A_35, %get3A_36] {strides = array<i32>} : memref<16x256xf32, #tpu.memory_space<vmem>>, vector<16xf32>,
      %gt3A_38 = arith.cmpf ogt, %get3A_37, %select_n3A_33 : vector<16xf32>
      %gt3A_39 = arith.cmpf ogt, %get3A_37, %select_n3A_29 : vector<16xf32>
      %jit3A_40 = arith.constant 2 : i32
      %broadcast_in_dim3A_41 = vector.broadcast %jit3A_40 : i32 to vector<16xi32>
      %select_n3A_42 = arith.select %gt3A_39, %broadcast_in_dim3A_41, %select_n3A_27 : vector<16xi1>, vector<16xi32>
      %select_n3A_43 = arith.select %gt3A_38, %select_n3A_32, %select_n3A_42 : vector<16xi1>, vector<16xi32>
      %select_n3A_44 = arith.select %gt3A_39, %get3A_37, %select_n3A_29 : vector<16xi1>, vector<16xf32>
      %select_n3A_45 = arith.select %gt3A_38, %select_n3A_33, %select_n3A_44 : vector<16xi1>, vector<16xf32>
      %jit3A_46 = arith.constant 2 : i32
      %broadcast_in_dim3A_47 = vector.broadcast %jit3A_46 : i32 to vector<16xi32>
      %select_n3A_48 = arith.select %gt3A_38, %broadcast_in_dim3A_47, %select_n3A_32 : vector<16xi1>, vector<16xi32>
      %select_n3A_49 = arith.select %gt3A_38, %get3A_37, %select_n3A_33 : vector<16xi1>, vector<16xf32>
      %get3A_50 = arith.constant 3 : i32
      %get3A_51 = arith.index_cast %get3A_50 : i32 to index
      %get3A_52 = arith.index_cast %mul3A_17 : i32 to index
      %get3A_53 = tpu.vector_load %arg4[%get3A_51, %get3A_52] {strides = array<i32>} : memref<16x256xf32, #tpu.memory_space<vmem>>, vector<16xf32>,
      %gt3A_54 = arith.cmpf ogt, %get3A_53, %select_n3A_49 : vector<16xf32>
      %gt3A_55 = arith.cmpf ogt, %get3A_53, %select_n3A_45 : vector<16xf32>
      %jit3A_56 = arith.constant 3 : i32
      %broadcast_in_dim3A_57 = vector.broadcast %jit3A_56 : i32 to vector<16xi32>
      %select_n3A_58 = arith.select %gt3A_55, %broadcast_in_dim3A_57, %select_n3A_43 : vector<16xi1>, vector<16xi32>
      %select_n3A_59 = arith.select %gt3A_54, %select_n3A_48, %select_n3A_58 : vector<16xi1>, vector<16xi32>
      %select_n3A_60 = arith.select %gt3A_55, %get3A_53, %select_n3A_45 : vector<16xi1>, vector<16xf32>
      %select_n3A_61 = arith.select %gt3A_54, %select_n3A_49, %select_n3A_60 : vector<16xi1>, vector<16xf32>
      %jit3A_62 = arith.constant 3 : i32
      %broadcast_in_dim3A_63 = vector.broadcast %jit3A_62 : i32 to vector<16xi32>
      %select_n3A_64 = arith.select %gt3A_54, %broadcast_in_dim3A_63, %select_n3A_48 : vector<16xi1>, vector<16xi32>
      %select_n3A_65 = arith.select %gt3A_54, %get3A_53, %select_n3A_49 : vector<16xi1>, vector<16xf32>
      %get3A_66 = arith.constant 4 : i32
      %get3A_67 = arith.index_cast %get3A_66 : i32 to index
      %get3A_68 = arith.index_cast %mul3A_17 : i32 to index
      %get3A_69 = tpu.vector_load %arg4[%get3A_67, %get3A_68] {strides = array<i32>} : memref<16x256xf32, #tpu.memory_space<vmem>>, vector<16xf32>,
      %gt3A_70 = arith.cmpf ogt, %get3A_69, %select_n3A_65 : vector<16xf32>
      %gt3A_71 = arith.cmpf ogt, %get3A_69, %select_n3A_61 : vector<16xf32>
      %jit3A_72 = arith.constant 4 : i32
      %broadcast_in_dim3A_73 = vector.broadcast %jit3A_72 : i32 to vector<16xi32>
      %select_n3A_74 = arith.select %gt3A_71, %broadcast_in_dim3A_73, %select_n3A_59 : vector<16xi1>, vector<16xi32>
      %select_n3A_75 = arith.select %gt3A_70, %select_n3A_64, %select_n3A_74 : vector<16xi1>, vector<16xi32>
      %select_n3A_76 = arith.select %gt3A_71, %get3A_69, %select_n3A_61 : vector<16xi1>, vector<16xf32>
      %select_n3A_77 = arith.select %gt3A_70, %select_n3A_65, %select_n3A_76 : vector<16xi1>, vector<16xf32>
      %jit3A_78 = arith.constant 4 : i32
      %broadcast_in_dim3A_79 = vector.broadcast %jit3A_78 : i32 to vector<16xi32>
      %select_n3A_80 = arith.select %gt3A_70, %broadcast_in_dim3A_79, %select_n3A_64 : vector<16xi1>, vector<16xi32>
      %select_n3A_81 = arith.select %gt3A_70, %get3A_69, %select_n3A_65 : vector<16xi1>, vector<16xf32>
      %get3A_82 = arith.constant 5 : i32
      %get3A_83 = arith.index_cast %get3A_82 : i32 to index
      %get3A_84 = arith.index_cast %mul3A_17 : i32 to index
      %get3A_85 = tpu.vector_load %arg4[%get3A_83, %get3A_84] {strides = array<i32>} : memref<16x256xf32, #tpu.memory_space<vmem>>, vector<16xf32>,
      %gt3A_86 = arith.cmpf ogt, %get3A_85, %select_n3A_81 : vector<16xf32>
      %gt3A_87 = arith.cmpf ogt, %get3A_85, %select_n3A_77 : vector<16xf32>
      %jit3A_88 = arith.constant 5 : i32
      %broadcast_in_dim3A_89 = vector.broadcast %jit3A_88 : i32 to vector<16xi32>
      %select_n3A_90 = arith.select %gt3A_87, %broadcast_in_dim3A_89, %select_n3A_75 : vector<16xi1>, vector<16xi32>
      %select_n3A_91 = arith.select %gt3A_86, %select_n3A_80, %select_n3A_90 : vector<16xi1>, vector<16xi32>
      %select_n3A_92 = arith.select %gt3A_87, %get3A_85, %select_n3A_77 : vector<16xi1>, vector<16xf32>
      %select_n3A_93 = arith.select %gt3A_86, %select_n3A_81, %select_n3A_92 : vector<16xi1>, vector<16xf32>
      %jit3A_94 = arith.constant 5 : i32
      %broadcast_in_dim3A_95 = vector.broadcast %jit3A_94 : i32 to vector<16xi32>
      %select_n3A_96 = arith.select %gt3A_86, %broadcast_in_dim3A_95, %select_n3A_80 : vector<16xi1>, vector<16xi32>
      %select_n3A_97 = arith.select %gt3A_86, %get3A_85, %select_n3A_81 : vector<16xi1>, vector<16xf32>
      %get3A_98 = arith.constant 6 : i32
      %get3A_99 = arith.index_cast %get3A_98 : i32 to index
      %get3A_100 = arith.index_cast %mul3A_17 : i32 to index
      %get3A_101 = tpu.vector_load %arg4[%get3A_99, %get3A_100] {strides = array<i32>} : memref<16x256xf32, #tpu.memory_space<vmem>>, vector<16xf32>,
      %gt3A_102 = arith.cmpf ogt, %get3A_101, %select_n3A_97 : vector<16xf32>
      %gt3A_103 = arith.cmpf ogt, %get3A_101, %select_n3A_93 : vector<16xf32>
      %jit3A_104 = arith.constant 6 : i32
      %broadcast_in_dim3A_105 = vector.broadcast %jit3A_104 : i32 to vector<16xi32>
      %select_n3A_106 = arith.select %gt3A_103, %broadcast_in_dim3A_105, %select_n3A_91 : vector<16xi1>, vector<16xi32>
      %select_n3A_107 = arith.select %gt3A_102, %select_n3A_96, %select_n3A_106 : vector<16xi1>, vector<16xi32>
      %select_n3A_108 = arith.select %gt3A_103, %get3A_101, %select_n3A_93 : vector<16xi1>, vector<16xf32>
      %select_n3A_109 = arith.select %gt3A_102, %select_n3A_97, %select_n3A_108 : vector<16xi1>, vector<16xf32>
      %jit3A_110 = arith.constant 6 : i32
      %broadcast_in_dim3A_111 = vector.broadcast %jit3A_110 : i32 to vector<16xi32>
      %select_n3A_112 = arith.select %gt3A_102, %broadcast_in_dim3A_111, %select_n3A_96 : vector<16xi1>, vector<16xi32>
      %select_n3A_113 = arith.select %gt3A_102, %get3A_101, %select_n3A_97 : vector<16xi1>, vector<16xf32>
      %get3A_114 = arith.constant 7 : i32
      %get3A_115 = arith.index_cast %get3A_114 : i32 to index
      %get3A_116 = arith.index_cast %mul3A_17 : i32 to index
      %get3A_117 = tpu.vector_load %arg4[%get3A_115, %get3A_116] {strides = array<i32>} : memref<16x256xf32, #tpu.memory_space<vmem>>, vector<16xf32>,
      %gt3A_118 = arith.cmpf ogt, %get3A_117, %select_n3A_113 : vector<16xf32>
      %gt3A_119 = arith.cmpf ogt, %get3A_117, %select_n3A_109 : vector<16xf32>
      %jit3A_120 = arith.constant 7 : i32
      %broadcast_in_dim3A_121 = vector.broadcast %jit3A_120 : i32 to vector<16xi32>
      %select_n3A_122 = arith.select %gt3A_119, %broadcast_in_dim3A_121, %select_n3A_107 : vector<16xi1>, vector<16xi32>
      %select_n3A_123 = arith.select %gt3A_118, %select_n3A_112, %select_n3A_122 : vector<16xi1>, vector<16xi32>
      %select_n3A_124 = arith.select %gt3A_119, %get3A_117, %select_n3A_109 : vector<16xi1>, vector<16xf32>
      %select_n3A_125 = arith.select %gt3A_118, %select_n3A_113, %select_n3A_124 : vector<16xi1>, vector<16xf32>
      %jit3A_126 = arith.constant 7 : i32
      %broadcast_in_dim3A_127 = vector.broadcast %jit3A_126 : i32 to vector<16xi32>
      %select_n3A_128 = arith.select %gt3A_118, %broadcast_in_dim3A_127, %select_n3A_112 : vector<16xi1>, vector<16xi32>
      %select_n3A_129 = arith.select %gt3A_118, %get3A_117, %select_n3A_113 : vector<16xi1>, vector<16xf32>
      %get3A_130 = arith.constant 8 : i32
      %get3A_131 = arith.index_cast %get3A_130 : i32 to index
      %get3A_132 = arith.index_cast %mul3A_17 : i32 to index
      %get3A_133 = tpu.vector_load %arg4[%get3A_131, %get3A_132] {strides = array<i32>} : memref<16x256xf32, #tpu.memory_space<vmem>>, vector<16xf32>,
      %gt3A_134 = arith.cmpf ogt, %get3A_133, %select_n3A_129 : vector<16xf32>
      %gt3A_135 = arith.cmpf ogt, %get3A_133, %select_n3A_125 : vector<16xf32>
      %jit3A_136 = arith.constant 8 : i32
      %broadcast_in_dim3A_137 = vector.broadcast %jit3A_136 : i32 to vector<16xi32>
      %select_n3A_138 = arith.select %gt3A_135, %broadcast_in_dim3A_137, %select_n3A_123 : vector<16xi1>, vector<16xi32>
      %select_n3A_139 = arith.select %gt3A_134, %select_n3A_128, %select_n3A_138 : vector<16xi1>, vector<16xi32>
      %select_n3A_140 = arith.select %gt3A_135, %get3A_133, %select_n3A_125 : vector<16xi1>, vector<16xf32>
      %select_n3A_141 = arith.select %gt3A_134, %select_n3A_129, %select_n3A_140 : vector<16xi1>, vector<16xf32>
      %jit3A_142 = arith.constant 8 : i32
      %broadcast_in_dim3A_143 = vector.broadcast %jit3A_142 : i32 to vector<16xi32>
      %select_n3A_144 = arith.select %gt3A_134, %broadcast_in_dim3A_143, %select_n3A_128 : vector<16xi1>, vector<16xi32>
      %select_n3A_145 = arith.select %gt3A_134, %get3A_133, %select_n3A_129 : vector<16xi1>, vector<16xf32>
      %get3A_146 = arith.constant 9 : i32
      %get3A_147 = arith.index_cast %get3A_146 : i32 to index
      %get3A_148 = arith.index_cast %mul3A_17 : i32 to index
      %get3A_149 = tpu.vector_load %arg4[%get3A_147, %get3A_148] {strides = array<i32>} : memref<16x256xf32, #tpu.memory_space<vmem>>, vector<16xf32>,
      %gt3A_150 = arith.cmpf ogt, %get3A_149, %select_n3A_145 : vector<16xf32>
      %gt3A_151 = arith.cmpf ogt, %get3A_149, %select_n3A_141 : vector<16xf32>
      %jit3A_152 = arith.constant 9 : i32
      %broadcast_in_dim3A_153 = vector.broadcast %jit3A_152 : i32 to vector<16xi32>
      %select_n3A_154 = arith.select %gt3A_151, %broadcast_in_dim3A_153, %select_n3A_139 : vector<16xi1>, vector<16xi32>
      %select_n3A_155 = arith.select %gt3A_150, %select_n3A_144, %select_n3A_154 : vector<16xi1>, vector<16xi32>
      %select_n3A_156 = arith.select %gt3A_151, %get3A_149, %select_n3A_141 : vector<16xi1>, vector<16xf32>
      %select_n3A_157 = arith.select %gt3A_150, %select_n3A_145, %select_n3A_156 : vector<16xi1>, vector<16xf32>
      %jit3A_158 = arith.constant 9 : i32
      %broadcast_in_dim3A_159 = vector.broadcast %jit3A_158 : i32 to vector<16xi32>
      %select_n3A_160 = arith.select %gt3A_150, %broadcast_in_dim3A_159, %select_n3A_144 : vector<16xi1>, vector<16xi32>
      %select_n3A_161 = arith.select %gt3A_150, %get3A_149, %select_n3A_145 : vector<16xi1>, vector<16xf32>
      %get3A_162 = arith.constant 10 : i32
      %get3A_163 = arith.index_cast %get3A_162 : i32 to index
      %get3A_164 = arith.index_cast %mul3A_17 : i32 to index
      %get3A_165 = tpu.vector_load %arg4[%get3A_163, %get3A_164] {strides = array<i32>} : memref<16x256xf32, #tpu.memory_space<vmem>>, vector<16xf32>,
      %gt3A_166 = arith.cmpf ogt, %get3A_165, %select_n3A_161 : vector<16xf32>
      %gt3A_167 = arith.cmpf ogt, %get3A_165, %select_n3A_157 : vector<16xf32>
      %jit3A_168 = arith.constant 10 : i32
      %broadcast_in_dim3A_169 = vector.broadcast %jit3A_168 : i32 to vector<16xi32>
      %select_n3A_170 = arith.select %gt3A_167, %broadcast_in_dim3A_169, %select_n3A_155 : vector<16xi1>, vector<16xi32>
      %select_n3A_171 = arith.select %gt3A_166, %select_n3A_160, %select_n3A_170 : vector<16xi1>, vector<16xi32>
      %select_n3A_172 = arith.select %gt3A_167, %get3A_165, %select_n3A_157 : vector<16xi1>, vector<16xf32>
      %select_n3A_173 = arith.select %gt3A_166, %select_n3A_161, %select_n3A_172 : vector<16xi1>, vector<16xf32>
      %jit3A_174 = arith.constant 10 : i32
      %broadcast_in_dim3A_175 = vector.broadcast %jit3A_174 : i32 to vector<16xi32>
      %select_n3A_176 = arith.select %gt3A_166, %broadcast_in_dim3A_175, %select_n3A_160 : vector<16xi1>, vector<16xi32>
      %select_n3A_177 = arith.select %gt3A_166, %get3A_165, %select_n3A_161 : vector<16xi1>, vector<16xf32>
      %get3A_178 = arith.constant 11 : i32
      %get3A_179 = arith.index_cast %get3A_178 : i32 to index
      %get3A_180 = arith.index_cast %mul3A_17 : i32 to index
      %get3A_181 = tpu.vector_load %arg4[%get3A_179, %get3A_180] {strides = array<i32>} : memref<16x256xf32, #tpu.memory_space<vmem>>, vector<16xf32>,
      %gt3A_182 = arith.cmpf ogt, %get3A_181, %select_n3A_177 : vector<16xf32>
      %gt3A_183 = arith.cmpf ogt, %get3A_181, %select_n3A_173 : vector<16xf32>
      %jit3A_184 = arith.constant 11 : i32
      %broadcast_in_dim3A_185 = vector.broadcast %jit3A_184 : i32 to vector<16xi32>
      %select_n3A_186 = arith.select %gt3A_183, %broadcast_in_dim3A_185, %select_n3A_171 : vector<16xi1>, vector<16xi32>
      %select_n3A_187 = arith.select %gt3A_182, %select_n3A_176, %select_n3A_186 : vector<16xi1>, vector<16xi32>
      %select_n3A_188 = arith.select %gt3A_183, %get3A_181, %select_n3A_173 : vector<16xi1>, vector<16xf32>
      %select_n3A_189 = arith.select %gt3A_182, %select_n3A_177, %select_n3A_188 : vector<16xi1>, vector<16xf32>
      %jit3A_190 = arith.constant 11 : i32
      %broadcast_in_dim3A_191 = vector.broadcast %jit3A_190 : i32 to vector<16xi32>
      %select_n3A_192 = arith.select %gt3A_182, %broadcast_in_dim3A_191, %select_n3A_176 : vector<16xi1>, vector<16xi32>
      %select_n3A_193 = arith.select %gt3A_182, %get3A_181, %select_n3A_177 : vector<16xi1>, vector<16xf32>
      %get3A_194 = arith.constant 12 : i32
      %get3A_195 = arith.index_cast %get3A_194 : i32 to index
      %get3A_196 = arith.index_cast %mul3A_17 : i32 to index
      %get3A_197 = tpu.vector_load %arg4[%get3A_195, %get3A_196] {strides = array<i32>} : memref<16x256xf32, #tpu.memory_space<vmem>>, vector<16xf32>,
      %gt3A_198 = arith.cmpf ogt, %get3A_197, %select_n3A_193 : vector<16xf32>
      %gt3A_199 = arith.cmpf ogt, %get3A_197, %select_n3A_189 : vector<16xf32>
      %jit3A_200 = arith.constant 12 : i32
      %broadcast_in_dim3A_201 = vector.broadcast %jit3A_200 : i32 to vector<16xi32>
      %select_n3A_202 = arith.select %gt3A_199, %broadcast_in_dim3A_201, %select_n3A_187 : vector<16xi1>, vector<16xi32>
      %select_n3A_203 = arith.select %gt3A_198, %select_n3A_192, %select_n3A_202 : vector<16xi1>, vector<16xi32>
      %select_n3A_204 = arith.select %gt3A_199, %get3A_197, %select_n3A_189 : vector<16xi1>, vector<16xf32>
      %select_n3A_205 = arith.select %gt3A_198, %select_n3A_193, %select_n3A_204 : vector<16xi1>, vector<16xf32>
      %jit3A_206 = arith.constant 12 : i32
      %broadcast_in_dim3A_207 = vector.broadcast %jit3A_206 : i32 to vector<16xi32>
      %select_n3A_208 = arith.select %gt3A_198, %broadcast_in_dim3A_207, %select_n3A_192 : vector<16xi1>, vector<16xi32>
      %select_n3A_209 = arith.select %gt3A_198, %get3A_197, %select_n3A_193 : vector<16xi1>, vector<16xf32>
      %get3A_210 = arith.constant 13 : i32
      %get3A_211 = arith.index_cast %get3A_210 : i32 to index
      %get3A_212 = arith.index_cast %mul3A_17 : i32 to index
      %get3A_213 = tpu.vector_load %arg4[%get3A_211, %get3A_212] {strides = array<i32>} : memref<16x256xf32, #tpu.memory_space<vmem>>, vector<16xf32>,
      %gt3A_214 = arith.cmpf ogt, %get3A_213, %select_n3A_209 : vector<16xf32>
      %gt3A_215 = arith.cmpf ogt, %get3A_213, %select_n3A_205 : vector<16xf32>
      %jit3A_216 = arith.constant 13 : i32
      %broadcast_in_dim3A_217 = vector.broadcast %jit3A_216 : i32 to vector<16xi32>
      %select_n3A_218 = arith.select %gt3A_215, %broadcast_in_dim3A_217, %select_n3A_203 : vector<16xi1>, vector<16xi32>
      %select_n3A_219 = arith.select %gt3A_214, %select_n3A_208, %select_n3A_218 : vector<16xi1>, vector<16xi32>
      %select_n3A_220 = arith.select %gt3A_215, %get3A_213, %select_n3A_205 : vector<16xi1>, vector<16xf32>
      %select_n3A_221 = arith.select %gt3A_214, %select_n3A_209, %select_n3A_220 : vector<16xi1>, vector<16xf32>
      %jit3A_222 = arith.constant 13 : i32
      %broadcast_in_dim3A_223 = vector.broadcast %jit3A_222 : i32 to vector<16xi32>
      %select_n3A_224 = arith.select %gt3A_214, %broadcast_in_dim3A_223, %select_n3A_208 : vector<16xi1>, vector<16xi32>
      %select_n3A_225 = arith.select %gt3A_214, %get3A_213, %select_n3A_209 : vector<16xi1>, vector<16xf32>
      %get3A_226 = arith.constant 14 : i32
      %get3A_227 = arith.index_cast %get3A_226 : i32 to index
      %get3A_228 = arith.index_cast %mul3A_17 : i32 to index
      %get3A_229 = tpu.vector_load %arg4[%get3A_227, %get3A_228] {strides = array<i32>} : memref<16x256xf32, #tpu.memory_space<vmem>>, vector<16xf32>,
      %gt3A_230 = arith.cmpf ogt, %get3A_229, %select_n3A_225 : vector<16xf32>
      %gt3A_231 = arith.cmpf ogt, %get3A_229, %select_n3A_221 : vector<16xf32>
      %jit3A_232 = arith.constant 14 : i32
      %broadcast_in_dim3A_233 = vector.broadcast %jit3A_232 : i32 to vector<16xi32>
      %select_n3A_234 = arith.select %gt3A_231, %broadcast_in_dim3A_233, %select_n3A_219 : vector<16xi1>, vector<16xi32>
      %select_n3A_235 = arith.select %gt3A_230, %select_n3A_224, %select_n3A_234 : vector<16xi1>, vector<16xi32>
      %select_n3A_236 = arith.select %gt3A_231, %get3A_229, %select_n3A_221 : vector<16xi1>, vector<16xf32>
      %select_n3A_237 = arith.select %gt3A_230, %select_n3A_225, %select_n3A_236 : vector<16xi1>, vector<16xf32>
      %jit3A_238 = arith.constant 14 : i32
      %broadcast_in_dim3A_239 = vector.broadcast %jit3A_238 : i32 to vector<16xi32>
      %select_n3A_240 = arith.select %gt3A_230, %broadcast_in_dim3A_239, %select_n3A_224 : vector<16xi1>, vector<16xi32>
      %select_n3A_241 = arith.select %gt3A_230, %get3A_229, %select_n3A_225 : vector<16xi1>, vector<16xf32>
      %get3A_242 = arith.constant 15 : i32
      %get3A_243 = arith.index_cast %get3A_242 : i32 to index
      %get3A_244 = arith.index_cast %mul3A_17 : i32 to index
      %get3A_245 = tpu.vector_load %arg4[%get3A_243, %get3A_244] {strides = array<i32>} : memref<16x256xf32, #tpu.memory_space<vmem>>, vector<16xf32>,
      %gt3A_246 = arith.cmpf ogt, %get3A_245, %select_n3A_241 : vector<16xf32>
      %gt3A_247 = arith.cmpf ogt, %get3A_245, %select_n3A_237 : vector<16xf32>
      %jit3A_248 = arith.constant 15 : i32
      %broadcast_in_dim3A_249 = vector.broadcast %jit3A_248 : i32 to vector<16xi32>
      %select_n3A_250 = arith.select %gt3A_247, %broadcast_in_dim3A_249, %select_n3A_235 : vector<16xi1>, vector<16xi32>
      %select_n3A_251 = arith.select %gt3A_246, %select_n3A_240, %select_n3A_250 : vector<16xi1>, vector<16xi32>
      %select_n3A_252 = arith.select %gt3A_247, %get3A_245, %select_n3A_237 : vector<16xi1>, vector<16xf32>
      %select_n3A_253 = arith.select %gt3A_246, %select_n3A_241, %select_n3A_252 : vector<16xi1>, vector<16xf32>
      %jit3A_254 = arith.constant 15 : i32
      %broadcast_in_dim3A_255 = vector.broadcast %jit3A_254 : i32 to vector<16xi32>
      %select_n3A_256 = arith.select %gt3A_246, %broadcast_in_dim3A_255, %select_n3A_240 : vector<16xi1>, vector<16xi32>
      %select_n3A_257 = arith.select %gt3A_246, %get3A_245, %select_n3A_241 : vector<16xi1>, vector<16xf32>
      %sub3A = arith.subf %select_n3A_253, %select_n3A_257 : vector<16xf32>
      %exp3A = math.exp %sub3A : vector<16xf32>
      %add3A_258 = arith.constant 1.000000e+00 : f32
      %add3A_259 = vector.broadcast %add3A_258 : f32 to vector<16xf32>
      %add3A_260 = arith.addf %add3A_259, %exp3A : vector<16xf32>
      %div3A = arith.constant 1.000000e+00 : f32
      %div3A_261 = vector.broadcast %div3A : f32 to vector<16xf32>
      %div3A_262 = arith.divf %div3A_261, %add3A_260 : vector<16xf32>
      %sub3A_263 = arith.constant 1.000000e+00 : f32
      %sub3A_264 = vector.broadcast %sub3A_263 : f32 to vector<16xf32>
      %sub3A_265 = arith.subf %sub3A_264, %div3A_262 : vector<16xf32>
      %mul3A_266 = arith.constant 16 : i32
      %mul3A_267 = arith.muli %mul3A_17, %mul3A_266 : i32
      %add3A_268 = arith.constant 0 : i32
      %add3A_269 = arith.addi %mul3A_267, %add3A_268 : i32
      %swap3A = arith.index_cast %add3A_269 : i32 to index
      %swap3A_270 = tpu.vector_load %arg5[%swap3A] {strides = array<i32>} : memref<4096xf32, #tpu.memory_space<vmem>>, vector<16xf32>,
      tpu.vector_store %arg5[%swap3A], %broadcast_in_dim3A_3 {strides = array<i32>} : memref<4096xf32, #tpu.memory_space<vmem>>, vector<16xf32>,
      %add3A_271 = arith.constant 16 : i32
      %add3A_272 = arith.addi %mul3A_267, %add3A_271 : i32
      %swap3A_273 = arith.index_cast %add3A_272 : i32 to index
      %swap3A_274 = tpu.vector_load %arg5[%swap3A_273] {strides = array<i32>} : memref<4096xf32, #tpu.memory_space<vmem>>, vector<16xf32>,
      tpu.vector_store %arg5[%swap3A_273], %broadcast_in_dim3A_3 {strides = array<i32>} : memref<4096xf32, #tpu.memory_space<vmem>>, vector<16xf32>,
      %add3A_275 = arith.constant 32 : i32
      %add3A_276 = arith.addi %mul3A_267, %add3A_275 : i32
      %swap3A_277 = arith.index_cast %add3A_276 : i32 to index
      %swap3A_278 = tpu.vector_load %arg5[%swap3A_277] {strides = array<i32>} : memref<4096xf32, #tpu.memory_space<vmem>>, vector<16xf32>,
      tpu.vector_store %arg5[%swap3A_277], %broadcast_in_dim3A_3 {strides = array<i32>} : memref<4096xf32, #tpu.memory_space<vmem>>, vector<16xf32>,
      %add3A_279 = arith.constant 48 : i32
      %add3A_280 = arith.addi %mul3A_267, %add3A_279 : i32
      %swap3A_281 = arith.index_cast %add3A_280 : i32 to index
      %swap3A_282 = tpu.vector_load %arg5[%swap3A_281] {strides = array<i32>} : memref<4096xf32, #tpu.memory_space<vmem>>, vector<16xf32>,
      tpu.vector_store %arg5[%swap3A_281], %broadcast_in_dim3A_3 {strides = array<i32>} : memref<4096xf32, #tpu.memory_space<vmem>>, vector<16xf32>,
      %add3A_283 = arith.constant 64 : i32
      %add3A_284 = arith.addi %mul3A_267, %add3A_283 : i32
      %swap3A_285 = arith.index_cast %add3A_284 : i32 to index
      %swap3A_286 = tpu.vector_load %arg5[%swap3A_285] {strides = array<i32>} : memref<4096xf32, #tpu.memory_space<vmem>>, vector<16xf32>,
      tpu.vector_store %arg5[%swap3A_285], %broadcast_in_dim3A_3 {strides = array<i32>} : memref<4096xf32, #tpu.memory_space<vmem>>, vector<16xf32>,
      %add3A_287 = arith.constant 80 : i32
      %add3A_288 = arith.addi %mul3A_267, %add3A_287 : i32
      %swap3A_289 = arith.index_cast %add3A_288 : i32 to index
      %swap3A_290 = tpu.vector_load %arg5[%swap3A_289] {strides = array<i32>} : memref<4096xf32, #tpu.memory_space<vmem>>, vector<16xf32>,
      tpu.vector_store %arg5[%swap3A_289], %broadcast_in_dim3A_3 {strides = array<i32>} : memref<4096xf32, #tpu.memory_space<vmem>>, vector<16xf32>,
      %add3A_291 = arith.constant 96 : i32
      %add3A_292 = arith.addi %mul3A_267, %add3A_291 : i32
      %swap3A_293 = arith.index_cast %add3A_292 : i32 to index
      %swap3A_294 = tpu.vector_load %arg5[%swap3A_293] {strides = array<i32>} : memref<4096xf32, #tpu.memory_space<vmem>>, vector<16xf32>,
      tpu.vector_store %arg5[%swap3A_293], %broadcast_in_dim3A_3 {strides = array<i32>} : memref<4096xf32, #tpu.memory_space<vmem>>, vector<16xf32>,
      %add3A_295 = arith.constant 112 : i32
      %add3A_296 = arith.addi %mul3A_267, %add3A_295 : i32
      %swap3A_297 = arith.index_cast %add3A_296 : i32 to index
      %swap3A_298 = tpu.vector_load %arg5[%swap3A_297] {strides = array<i32>} : memref<4096xf32, #tpu.memory_space<vmem>>, vector<16xf32>,
      tpu.vector_store %arg5[%swap3A_297], %broadcast_in_dim3A_3 {strides = array<i32>} : memref<4096xf32, #tpu.memory_space<vmem>>, vector<16xf32>,
      %add3A_299 = arith.constant 128 : i32
      %add3A_300 = arith.addi %mul3A_267, %add3A_299 : i32
      %swap3A_301 = arith.index_cast %add3A_300 : i32 to index
      %swap3A_302 = tpu.vector_load %arg5[%swap3A_301] {strides = array<i32>} : memref<4096xf32, #tpu.memory_space<vmem>>, vector<16xf32>,
      tpu.vector_store %arg5[%swap3A_301], %broadcast_in_dim3A_3 {strides = array<i32>} : memref<4096xf32, #tpu.memory_space<vmem>>, vector<16xf32>,
      %add3A_303 = arith.constant 144 : i32
      %add3A_304 = arith.addi %mul3A_267, %add3A_303 : i32
      %swap3A_305 = arith.index_cast %add3A_304 : i32 to index
      %swap3A_306 = tpu.vector_load %arg5[%swap3A_305] {strides = array<i32>} : memref<4096xf32, #tpu.memory_space<vmem>>, vector<16xf32>,
      tpu.vector_store %arg5[%swap3A_305], %broadcast_in_dim3A_3 {strides = array<i32>} : memref<4096xf32, #tpu.memory_space<vmem>>, vector<16xf32>,
      %add3A_307 = arith.constant 160 : i32
      %add3A_308 = arith.addi %mul3A_267, %add3A_307 : i32
      %swap3A_309 = arith.index_cast %add3A_308 : i32 to index
      %swap3A_310 = tpu.vector_load %arg5[%swap3A_309] {strides = array<i32>} : memref<4096xf32, #tpu.memory_space<vmem>>, vector<16xf32>,
      tpu.vector_store %arg5[%swap3A_309], %broadcast_in_dim3A_3 {strides = array<i32>} : memref<4096xf32, #tpu.memory_space<vmem>>, vector<16xf32>,
      %add3A_311 = arith.constant 176 : i32
      %add3A_312 = arith.addi %mul3A_267, %add3A_311 : i32
      %swap3A_313 = arith.index_cast %add3A_312 : i32 to index
      %swap3A_314 = tpu.vector_load %arg5[%swap3A_313] {strides = array<i32>} : memref<4096xf32, #tpu.memory_space<vmem>>, vector<16xf32>,
      tpu.vector_store %arg5[%swap3A_313], %broadcast_in_dim3A_3 {strides = array<i32>} : memref<4096xf32, #tpu.memory_space<vmem>>, vector<16xf32>,
      %add3A_315 = arith.constant 192 : i32
      %add3A_316 = arith.addi %mul3A_267, %add3A_315 : i32
      %swap3A_317 = arith.index_cast %add3A_316 : i32 to index
      %swap3A_318 = tpu.vector_load %arg5[%swap3A_317] {strides = array<i32>} : memref<4096xf32, #tpu.memory_space<vmem>>, vector<16xf32>,
      tpu.vector_store %arg5[%swap3A_317], %broadcast_in_dim3A_3 {strides = array<i32>} : memref<4096xf32, #tpu.memory_space<vmem>>, vector<16xf32>,
      %add3A_319 = arith.constant 208 : i32
      %add3A_320 = arith.addi %mul3A_267, %add3A_319 : i32
      %swap3A_321 = arith.index_cast %add3A_320 : i32 to index
      %swap3A_322 = tpu.vector_load %arg5[%swap3A_321] {strides = array<i32>} : memref<4096xf32, #tpu.memory_space<vmem>>, vector<16xf32>,
      tpu.vector_store %arg5[%swap3A_321], %broadcast_in_dim3A_3 {strides = array<i32>} : memref<4096xf32, #tpu.memory_space<vmem>>, vector<16xf32>,
      %add3A_323 = arith.constant 224 : i32
      %add3A_324 = arith.addi %mul3A_267, %add3A_323 : i32
      %swap3A_325 = arith.index_cast %add3A_324 : i32 to index
      %swap3A_326 = tpu.vector_load %arg5[%swap3A_325] {strides = array<i32>} : memref<4096xf32, #tpu.memory_space<vmem>>, vector<16xf32>,
      tpu.vector_store %arg5[%swap3A_325], %broadcast_in_dim3A_3 {strides = array<i32>} : memref<4096xf32, #tpu.memory_space<vmem>>, vector<16xf32>,
      %add3A_327 = arith.constant 240 : i32
      %add3A_328 = arith.addi %mul3A_267, %add3A_327 : i32
      %swap3A_329 = arith.index_cast %add3A_328 : i32 to index
      %swap3A_330 = tpu.vector_load %arg5[%swap3A_329] {strides = array<i32>} : memref<4096xf32, #tpu.memory_space<vmem>>, vector<16xf32>,
      tpu.vector_store %arg5[%swap3A_329], %broadcast_in_dim3A_3 {strides = array<i32>} : memref<4096xf32, #tpu.memory_space<vmem>>, vector<16xf32>,
      %mul3A_331 = arith.constant 16 : i32
      %mul3A_332 = vector.broadcast %mul3A_331 : i32 to vector<16xi32>
      %mul3A_333 = arith.muli %iota3A, %mul3A_332 : vector<16xi32>
      %add3A_334 = vector.broadcast %mul3A_267 : i32 to vector<16xi32>
      %add3A_335 = arith.addi %add3A_334, %mul3A_333 : vector<16xi32>
      %add3A_336 = arith.addi %add3A_335, %select_n3A_256 : vector<16xi32>
      tpu.vector_store_idx %arg5[%add3A_336], %div3A_262 : memref<4096xf32, #tpu.memory_space<vmem>>[vector<16xi32>], vector<16xf32>,
      %add3A_337 = arith.addi %add3A_335, %select_n3A_251 : vector<16xi32>
      tpu.vector_store_idx %arg5[%add3A_337], %sub3A_265 : memref<4096xf32, #tpu.memory_space<vmem>>[vector<16xi32>], vector<16xf32>,
    }
    %scan3A_12 = arith.constant 16 : i32
    %mul3A_13 = arith.constant 16 : i32
    %mul3A_14 = arith.muli %mul3A_2, %mul3A_13 : i32
    "tpu.region"() ({
      %run_scoped3A = tpu.sem_alloc : memref<!tpu.dma_semaphore, #tpu.memory_space<semaphore_mem>>
      %dma_start3A = tpu.memref_slice %arg3[%mul3A_14] : memref<131072xf32, #tpu.memory_space<hbm>> -> memref<4096xf32, #tpu.memory_space<hbm>>
      %dma_start3A_15 = tpu.memref_slice %arg3[%mul3A_14] : memref<131072xf32, #tpu.memory_space<hbm>> -> memref<4096xf32, #tpu.memory_space<hbm>>
      tpu.enqueue_dma source(%arg5 : memref<4096xf32, #tpu.memory_space<vmem>>) target(%dma_start3A_15 : memref<4096xf32, #tpu.memory_space<hbm>>) target_semaphore(%run_scoped3A : memref<!tpu.dma_semaphore, #tpu.memory_space<semaphore_mem>>)
      %dma_wait3A = tpu.memref_slice %arg3[%mul3A_14] : memref<131072xf32, #tpu.memory_space<hbm>> -> memref<4096xf32, #tpu.memory_space<hbm>>
      %dma_wait3A_16 = tpu.memref_slice %arg3[%mul3A_14] : memref<131072xf32, #tpu.memory_space<hbm>> -> memref<4096xf32, #tpu.memory_space<hbm>>
      tpu.wait_dma2 semaphore(%run_scoped3A : memref<!tpu.dma_semaphore, #tpu.memory_space<semaphore_mem>>) src(%arg5 : memref<4096xf32, #tpu.memory_space<vmem>>) dst(%dma_wait3A_16 : memref<4096xf32, #tpu.memory_space<hbm>>)
      tpu.yield
    }) : () -> ()
    return
  }
}

module attributes {stable_mosaic.version = 14 : i64} {
  func.func @_logits_block(%arg0: i32, %arg1: memref<1024x2048xf32, #tpu.memory_space<vmem>>, %arg2: memref<16x2048xf32, #tpu.memory_space<vmem>>, %arg3: memref<16x1xf32, #tpu.memory_space<vmem>>, %arg4: memref<16x1024xf32, #tpu.memory_space<vmem>>) attributes {dimension_semantics = [#tpu.dimension_semantics<arbitrary>], iteration_bounds = array<i64: 8>, scalar_prefetch = 0 : i64, scratch_operands = 0 : i64, tpu.core_type = #tpu.core_type<tc>, window_params = [{transform_indices = @transform_0, window_bounds = array<i64: 1024, 2048>}, {pipeline_mode = #tpu.pipeline_mode<synchronous>, transform_indices = @transform_1, window_bounds = array<i64: 16, 2048>}, {pipeline_mode = #tpu.pipeline_mode<synchronous>, transform_indices = @transform_2, window_bounds = array<i64: 16, 1>}, {transform_indices = @transform_3, window_bounds = array<i64: 16, 1024>}]} {
    %get3A = arith.constant 0 : index
    %get3A_0 = arith.constant 0 : index
    %get3A_1 = vector.load %arg1[%get3A, %get3A_0] : memref<1024x2048xf32, #tpu.memory_space<vmem>>, vector<1024x2048xf32>
    %get3A_2 = arith.constant 0 : index
    %get3A_3 = arith.constant 0 : index
    %get3A_4 = vector.load %arg2[%get3A_2, %get3A_3] : memref<16x2048xf32, #tpu.memory_space<vmem>>, vector<16x2048xf32>
    %get3A_5 = arith.constant 0 : index
    %get3A_6 = arith.constant 0 : index
    %get3A_7 = vector.load %arg3[%get3A_5, %get3A_6] : memref<16x1xf32, #tpu.memory_space<vmem>>, vector<16x1xf32>
    %dot_general3A = arith.constant dense<0.000000e+00> : vector<16x1024xf32>
    %dot_general3A_8 = tpu.matmul %get3A_4, %get3A_1, %dot_general3A {dimension_numbers = #tpu.dot_dimension_numbers<[1], [1], [0], [0], [0, 0, 1, 0], [], []>, transpose_lhs_hint = false} : vector<16x2048xf32>, vector<1024x2048xf32>, vector<16x1024xf32> -> vector<16x1024xf32>
    %add3A = vector.broadcast %get3A_7 : vector<16x1xf32> to vector<16x1024xf32>
    %add3A_9 = arith.addf %dot_general3A_8, %add3A : vector<16x1024xf32>
    %swap3A = arith.constant 0 : index
    %swap3A_10 = arith.constant 0 : index
    %swap3A_11 = vector.load %arg4[%swap3A, %swap3A_10] : memref<16x1024xf32, #tpu.memory_space<vmem>>, vector<16x1024xf32>
    tpu.vector_store %arg4[%swap3A, %swap3A_10], %add3A_9 {strides = array<i32>} : memref<16x1024xf32, #tpu.memory_space<vmem>>, vector<16x1024xf32>,
    return
  }
  func.func @transform_0(%arg0: i32) -> (i32, i32) {
    %c0_i32 = arith.constant 0 : i32
    %c0_i32_0 = arith.constant 0 : i32
    return %arg0, %c0_i32 : i32, i32
  }
  func.func @transform_1(%arg0: i32) -> (i32, i32) {
    %c0_i32 = arith.constant 0 : i32
    %c0_i32_0 = arith.constant 0 : i32
    %c0_i32_1 = arith.constant 0 : i32
    return %c0_i32, %c0_i32_0 : i32, i32
  }
  func.func @transform_2(%arg0: i32) -> (i32, i32) {
    %c0_i32 = arith.constant 0 : i32
    %c0_i32_0 = arith.constant 0 : i32
    %c0_i32_1 = arith.constant 0 : i32
    return %c0_i32, %c0_i32_0 : i32, i32
  }
  func.func @transform_3(%arg0: i32) -> (i32, i32) {
    %c0_i32 = arith.constant 0 : i32
    %c0_i32_0 = arith.constant 0 : i32
    return %c0_i32, %arg0 : i32, i32
  }
}

</mosaic_0001>

<sc_bundles>
// kernel: kernel.4.cloned.1.call-start
scs
__scs_entry_jumppad:
0x0: {  	(pc) =	sbr.rel $0x88, $3  }
0x1: {  	(tag) =	ssettag $0x0;
	lr =	simm.s32 $0x1  }
0x2: {  	[smem:$0x3F9E] =	sst lr;
	_ =	strace $0xD0000000  }
0x3: {  	_ = 	snop  }
0x4: {  	_ = 	snop  }
0x5: {  	_ = 	snop  }
0x6: {  	_ = 	snop  }
0x7: {  	_ = 	snop  }
__scs_overlays_trampoline_lowered:
0x8: {  	[smem:$0x3FAD] =	sst s0  }
0x9: {  	[smem:$0x3FAE] =	sst s1  }
0xa: {  	[smem:$0x3FAF] =	sst s2  }
0xb: {  	[smem:$0x3FB0] =	sst s3  }
0xc: {  	[smem:$0x3FB1] =	sst s4  }
0xd: {  	[smem:$0x3FB2] =	sst s5  }
0xe: {  	[smem:$0x3FB3] =	sst s6  }
0xf: {  	[smem:$0x3FB4] =	sst s7  }
0x10: {  	[smem:$0x3FB5] =	sst s8  }
0x11: {  	[smem:$0x3FB6] =	sst s9;
	s0 =	simm.s32 @!p0 $0x0  }
0x12: {  	s1 =	sld [smem:$0x3F9C];
	s0 =	simm.s32 @p0 $0x1  }
0x13: {  	[smem:$0x3FB7] =	sst s0;
	s0 =	simm.s32 @!p1 $0x0  }
0x14: {  	s2 =	sld [smem:$0x3F9B];
	s0 =	simm.s32 @p1 $0x1  }
0x15: {  	[smem:$0x3FB8] =	sst s0;
	s0 =	simm.s32 @!p2 $0x0  }
0x16: {  	s3 =	sld [smem:$0x3FDB];
	s0 =	simm.s32 @p2 $0x1  }
0x17: {  	s4 =	simm.s32 $0x1BF5;
	[smem:$0x3FBA] =	sst s0  }
0x18: {  	s0 =	sld [smem:$0x3F9D];
	_ =	swait.ge [sflag:s4], $0x0  }
0x19: {  	s7 =	sld [smem:$0x3F9E]  }
0x1a: {  	s8 =	sadd.s32 $0xFFFFE003, lr  }
0x1b: {  	s9 =	sadd.s32 $0xFFFFFEF7, lr;
	s5 =	simm.s32 $0xFFFFFFFF;
	p2 =	slt.u32 s8, $0xFFFFF086  }
0x1c: {  	p1 =	slt.u32 s9, $0xF7A;
	s5 =	simm.s32 @!p2 $0x0  }
0x1d: {  	s5 =	simm.s32 @p1 $0x1;
	p0 =	seq.s32 s7, s2  }
0x1e: {  	s7 =	smul.u32 @!p0 $0xF7A, s2;
	p2 =	seq.s32 @!p0 s5, $0x0  }
0x1f: {  	s9 =	smul.u32 $0xF7A, s1;
	s8 =	simm.s32 @!p0 $0x1BF5;
	p2 =	por !p2, p0  }
0x20: {  	[sflag:s8] =	ssyncset.s32 @!p0 $0xFFFFF086;
	s6 =	sadd.s32 @!p0 s3, s7;
	s7 =	simm.s32 @!p0 $0x108  }
0x21: {  	s3 =	sadd.s32 s3, s9;
	s6 =	sadd.s32 @!p0 $0x88, s6;
	s7 =	simm.s32 @p2 $0x1082  }
0x22: {  	[simem:s7], [sflag:s8] =	dma.local @!p0 [hbm:s6], $0xF7A  }
0x23: {  	s9 =	sor.u32 $0xD0000000, s2;
	s6 =	simm.s32 $0x108;
	_ =	swait.ge @!p0 [sflag:s8], $0x0  }
0x24: {  	s3 =	sadd.s32 $0x88, s3;
	s6 =	simm.s32 @!p1 $0x1082;
	[sflag:s4] =	ssyncset.s32 $0xFFFFF086  }
0x25: {  	[simem:s6], [sflag:s4] =	dma.local [hbm:s3], $0xF7A  }
0x26: {  	[smem:$0x3F9E] =	sst s1;
	(tag) =	ssettag s2;
	_ =	strace s9  }
0x27: {  	s1 =	sld [smem:$0x3FAE]  }
0x28: {  	s2 =	sld [smem:$0x3FAF]  }
0x29: {  	s4 =	sld [smem:$0x3FB1]  }
0x2a: {  	p0 =	seq.s32 s5, $0x0;
	s5 =	sld [smem:$0x3FB2]  }
0x2b: {  	s6 =	sld [smem:$0x3FB3]  }
0x2c: {  	s7 =	sld [smem:$0x3FB4]  }
0x2d: {  	s3 =	simm.s32 $0x108;
	s8 =	sld [smem:$0x3FB5]  }
0x2e: {  	s3 =	simm.s32 @!p0 $0x1082;
	s9 =	sld [smem:$0x3FB6]  }
0x2f: {  	lr =	sadd.s32 s0, s3;
	s0 =	sld [smem:$0x3FAD]  }
0x30: {  	s3 =	sld [smem:$0x3FB0]  }
0x31: {  	[smem:$0x3FB9] =	sst s10  }
0x32: {  	s10 =	sld [smem:$0x3FB7];
	_ =	sdelay $0x3  }
0x33: {  	p0 =	seq.s32 s10, $0x1;
	s10 =	sld [smem:$0x3FB9];
	_ =	sdelay $0x3  }
0x34: {  	[smem:$0x3FB9] =	sst s10  }
0x35: {  	s10 =	sld [smem:$0x3FB8];
	_ =	sdelay $0x3  }
0x36: {  	p1 =	seq.s32 s10, $0x1;
	s10 =	sld [smem:$0x3FB9];
	_ =	sdelay $0x3  }
0x37: {  	[smem:$0x3FB9] =	sst s10  }
0x38: {  	s10 =	sld [smem:$0x3FBA]  }
0x39: {  	_ = 	snop;
	(pc) =	sbr.ind lr, $3  }
0x3a: {  	_ = 	snop  }
0x3b: {  	_ = 	snop  }
0x3c: {  	p2 =	seq.s32 s10, $0x1;
	s10 =	sld [smem:$0x3FB9]  }
0x3d: {  	_ =	shalt  }
0x3e: {  	_ =	shalt  }
0x3f: {  	_ =	shalt  }
0x40: {  	_ =	shalt  }
0x41: {  	_ =	shalt  }
0x42: {  	_ =	shalt  }
0x43: {  	_ =	shalt  }
0x44: {  	_ =	shalt  }
0x45: {  	_ =	shalt  }
0x46: {  	_ =	shalt  }
0x47: {  	_ =	shalt  }
0x48: {  	_ =	shalt  }
0x49: {  	_ =	shalt  }
0x4a: {  	_ =	shalt  }
0x4b: {  	_ =	shalt  }
0x4c: {  	_ =	shalt  }
0x4d: {  	_ =	shalt  }
0x4e: {  	_ =	shalt  }
0x4f: {  	_ =	shalt  }
0x50: {  	_ =	shalt  }
0x51: {  	_ =	shalt  }
0x52: {  	_ =	shalt  }
0x53: {  	_ =	shalt  }
0x54: {  	_ =	shalt  }
0x55: {  	_ =	shalt  }
0x56: {  	_ =	shalt  }
0x57: {  	_ =	shalt  }
0x58: {  	_ =	shalt  }
0x59: {  	_ =	shalt  }
0x5a: {  	_ =	shalt  }
0x5b: {  	_ =	shalt  }
0x5c: {  	_ =	shalt  }
0x5d: {  	_ =	shalt  }
0x5e: {  	_ =	shalt  }
0x5f: {  	_ =	shalt  }
0x60: {  	_ =	shalt  }
0x61: {  	_ =	shalt  }
0x62: {  	_ =	shalt  }
0x63: {  	_ =	shalt  }
0x64: {  	_ =	shalt  }
0x65: {  	_ =	shalt  }
0x66: {  	_ =	shalt  }
0x67: {  	_ =	shalt  }
0x68: {  	_ =	shalt  }
0x69: {  	_ =	shalt  }
0x6a: {  	_ =	shalt  }
0x6b: {  	_ =	shalt  }
0x6c: {  	_ =	shalt  }
0x6d: {  	_ =	shalt  }
0x6e: {  	_ =	shalt  }
0x6f: {  	_ =	shalt  }
0x70: {  	_ =	shalt  }
0x71: {  	_ =	shalt  }
0x72: {  	_ =	shalt  }
0x73: {  	_ =	shalt  }
0x74: {  	_ =	shalt  }
0x75: {  	_ =	shalt  }
0x76: {  	_ =	shalt  }
0x77: {  	_ =	shalt  }
0x78: {  	_ =	shalt  }
0x79: {  	_ =	shalt  }
0x7a: {  	_ =	shalt  }
0x7b: {  	_ =	shalt  }
0x7c: {  	_ =	shalt  }
0x7d: {  	_ =	shalt  }
0x7e: {  	_ =	shalt  }
0x7f: {  	_ =	shalt  }
0x80: {  	_ =	shalt  }
0x81: {  	_ =	shalt  }
0x82: {  	_ =	shalt  }
0x83: {  	_ =	shalt  }
0x84: {  	_ =	shalt  }
0x85: {  	_ =	shalt  }
0x86: {  	_ =	shalt  }
0x87: {  	_ =	shalt  }
.Lfunc_end0:
.L_simem_size_0:
called_computation_lowered:
.L_overlay_start_0:
0x88: {  	s2 =	sld [smem:$0x3FD9]  }
0x89: {  	s3 =	sld [smem:$0x3FFE];
	_ =	sdelay $0x1  }
0x8a: {  	s1 =	srdreg.scid  }
0x8b: {  	s0 =	sand.u32 $0x1, s1  }
0x8c: {  	s17 =	sshll.u32 s0, $0xA;
	s2 =	sadd.s32 s3, s2  }
0x8d: {  	s2 =	sadd.s32 s2, s17  }
0x8e: {  	[smem:$0x3FC5] =	sst s2  }
0x8f: {  	_ = 	snop  }
0x90: {  	s2 =	sld [smem:$0x3FD0];
	(tm) =	ssettm $0x1  }
0x91: {  	s18 =	sld [smem:$0x3FFB];
	_ =	sdelay $0x3  }
0x92: {  	_ =	strace s18  }
0x93: {  	s3 =	sld [smem:$0x3FFC];
	_ =	sdelay $0x3  }
0x94: {  	_ =	strace s3  }
0x95: {  	s3 =	sld [smem:$0x3FFD];
	_ =	sdelay $0x3  }
0x96: {  	_ =	strace s3  }
0x97: {  	_ =	strace $0x8FFFFFFF  }
0x98: {  	s19 =	sld [smem:$0x3FDB];
	_ =	sdelay $0x1  }
0x99: {  	s4 =	simm.s32 $_scs_section_size  }
0x9a: {  	s5 =	simm.s32 $_size__tile_overlayer_lowered;
	s6 =	simm.s32 $_tile_overlayer_lowered  }
0x9b: {  	s22 =	simm.s32 $0x1BFF;
	s21 =	sshll.u32 s6, $0x1;
	s3 =	sadd.s32 s4, s19  }
0x9c: {  	s7 =	simm.s32 $0x0;
	s20 =	sshll.u32 s5, $0x1;
	s5 =	sadd.s32 s21, s3  }
0x9d: {  	[timem:s7], [sflag:s22] =	dma.local [hbm:s5], s20  }
0x9e: {  	_ =	swait.ge [sflag:s22], s20  }
0x9f: {  	s4 =	ssub.s32 $0x0, s20;
	[sflag:s22] =	ssyncset.done $0x0  }
0xa0: {  	[sflag:s22] =	ssyncadd.s32 s4;
	_ =	sdelay $0x1  }
0xa1: {  	s23 =	simm.s32 $0x1B8B  }
0xa2: {  	_ =	swait.ge [sflag:s23], $0x1  }
0xa3: {  	[sflag:s23] =	ssyncset.done $0x0  }
0xa4: {  	s25 =	simm.s32 $0x1B8E;
	s24 =	sld [smem:$0x3FFE];
	[sflag:s23] =	ssyncadd.s32 $0xFFFFFFFF  }
0xa5: {  	s26 =	simm.s32 $execute0_lowered;
	[smem:$0x3FD2] =	sst s25  }
0xa6: {  	s5 =	sshll.u32 s26, $0x1;
	_ =	strace $0x80000046;
	[dreg:$0x1] =	wrdreg $0xFFFFFFFF  }
0xa7: {  	s28 =	simm.s32 $_size_execute0_lowered;
	s3 =	sadd.s32 s3, s5;
	[dreg:$0x0] =	wrdreg $0x0  }
0xa8: {  	s5 =	sshll.u32 s28, $0x1;
	[dreg:$0x2] =	wrdreg s3  }
0xa9: {  	[dreg:$0x3] =	wrdreg s5  }
0xaa: {  	[dreg:$0x4] =	wrdreg $0xC0  }
0xab: {  	_ =	task [dreg:s7], $0x5FFFF  }
0xac: {  	[dreg:$0x1] =	wrdreg $0xFFFFFFFF  }
0xad: {  	[dreg:$0x0] =	wrdreg $0x60  }
0xae: {  	[dreg:$0x2] =	wrdreg s2  }
0xaf: {  	[dreg:$0x3] =	wrdreg s24  }
0xb0: {  	[dreg:$0x4] =	wrdreg $0x9  }
0xb1: {  	_ =	task.clear_ibuf [dreg:s7], $0x5FFFF;
	_ =	strace $0x90000046  }
0xb2: {  	s29 =	simm.s32 $0x9;
	_ =	strace $0x80000048  }
0xb3: {  	_ =	swait.ge [sflag:s29], $0x1  }
0xb4: {  	[sflag:s29] =	ssyncadd.s32 $0xFFFFFFFF  }
0xb5: {  	_ =	strace $0x90000048  }
0xb6: {  	_ =	sfence  }
0xb7: {  	s30 =	sld [smem:$0x0];
	_ =	sdelay $0x2  }
0xb8: {  	s31 =	sshll.u32 s1, $0xD;
	s1 =	sshrl.u32 s1, $0x2  }
0xb9: {  	s3 =	sand.u32 $0x4000, s31;
	s1 =	sadd.s32 s1, s30  }
0xba: {  	s0 =	sor.u32 s3, s0;
	s1 =	sshll.u32 s1, $0x11  }
0xbb: {  	s0 =	sor.u32 s1, s0  }
0xbc: {  	s0 =	sadd.s32 $0x8F2B, s0  }
0xbd: {  	[sflag:s0] =	ssyncadd.remote.s32 $0x1  }
0xbe: {  	_ =	sfence.sel $0xFFFF  }
0xbf: {  	[dreg:$0x0] =	wrdreg $0xFFFFFFFF;
	(pc) =	sbr.abs _section_cstart, $3  }
0xc0: {  	[dreg:$0x1] =	wrdreg $0xFFFFFFFF  }
0xc1: {  	_ =	task.clear_ibuf [dreg:s7], $0x2FFFF;
	_ =	strace $0x9FFFFFFF  }
0xc2: {  	(tm) =	ssettm $0x7FFFFFFF  }
0xc3: {  	_ =	shalt  }
tec
execute0_lowered:
.L_overlay_start_1:
0x0: {  	(tag) =	ssettag $0x1  }
0x1: {  	s3 =	rddreg [dreg:$0x0]  }
0x2: {  	s4 =	rddreg [dreg:$0x1]  }
0x3: {  	s0 =	rddreg [dreg:$0x2];
	s5 =	srdreg.scid  }
0x4: {  	s1 =	stileid.u32;
	s2 =	simm.s32 $0x0;
	s8 =	simm.s32 $0x1  }
0x5: {  	s9 =	simm.s32 $0x1000;
	s5 =	sand.u32 $0x1, s5;
	s6 =	sshll.u32 s1, $0x1  }
0x6: {  	s10 =	simm.s32 $0x0;
	[smem:$0x7FF] =	sst s2;
	s6 =	sor.u32 s5, s6  }
0x7: {  	_ =	strace $0x80000047;
	s5 =	ssub.s32 $0x2, s5;
	s7 =	sshll.u32 s6, $0x9  }
0x8: {  	s31 =	sshrl.u32 s5, $0x1;
	s6 =	sshll.u32 s6, $0x8;
	s4 =	sadd.s32 s7, s4  }
0x9: {  	v2 =	vlaneseq.u32;
	s5 =	ssub.s32 s5, s31;
	s3 =	sadd.s32 s3, s6;
	s6 =	simm.s32 $0x800  }
0xa: {  	v0 =	vimm.s32 $0x0;
	v1 =	vimm.f32 $0.0e+00;
	v2 =	vmul.u32 $0x10, v2;
	s7 =	simm.s32 $0x10000;
	s4 =	sadd.s32 $0x800, s4;
	s5 =	smax.u32 s5, $0x1  }
.LBB2_1:
0xb: {  	[tilespmem:s2], [sflag:$0x1] =	stream.strided.gather [hbm4b:s3+s6], $0x1000, s7, s6, $0x38;
	[tilespmem:$0x2000] =	vst v63  }
0xc: {  	_ =	swait.ge [sflag:s8], $0x1000  }
0xd: {  	s11 =	sand.u32 $0x70, s2;
	s12 =	sand.u32 $0x400, s2;
	[sflag:s8] =	ssyncset.done $0x0  }
0xe: {  	s11 =	sor.u32 s11, s12;
	[sflag:s8] =	ssyncadd.s32 $0xFFFFF000  }
0xf: {  	v3 =	vld [tilespmem:s11+$0x80];
	_ =	sdelay $0x1  }
0x10: {  	v4 =	vld [tilespmem:s11+$0x0];
	_ =	sdelay $0x2  }
0x11: {  	v5 =	vld [tilespmem:s11+$0x100];
	vm0 =	vlt.f32 v3, $-Inf;
	vm1 =	vgt.f32 v3, $-Inf  }
0x12: {  	v6 =	vimm.s32 $0x0;
	vm0 =	vmor vm1, vm0  }
0x13: {  	vm12 =	vgt.f32 v3, v4;
	v6 =	vsel vm0, $0xFFFFFFFF, v6  }
0x14: {  	vm8 =	vmneg vm12;
	[tilespmem:$0x1FF10] =	vst v6;
	v6 =	vnsel vm0, $0xFF800000, v3  }
0x15: {  	v7 =	vld [tilespmem:s11+$0x180];
	v6 =	vsel vm8, v6, v4  }
0x16: {  	v3 =	vsel vm8, v4, v3;
	v4 =	vimm.s32 $0x0;
	vm11 =	vgt.f32 v5, v6  }
0x17: {  	v4 =	vsel vm11, $0xFFFFFFFF, v4  }
0x18: {  	vm14 =	vgt.f32 v5, v3;
	[tilespmem:$0x1FF20] =	vst v4;
	v4 =	vsel vm11, v5, v6;
	v6 =	vld [tilespmem:s11+$0x200]  }
0x19: {  	v4 =	vsel vm14, v3, v4  }
0x1a: {  	v3 =	vsel vm14, v5, v3;
	v5 =	vimm.s32 $0x0;
	vm13 =	vgt.f32 v7, v4  }
0x1b: {  	vm7 =	vgt.f32 v7, v3;
	v5 =	vsel vm13, $0xFFFFFFFF, v5;
	v4 =	vsel vm13, v7, v4  }
0x1c: {  	[tilespmem:$0x1FF30] =	vst v5;
	v5 =	vld [tilespmem:s11+$0x280];
	v4 =	vsel vm7, v3, v4  }
0x1d: {  	v3 =	vsel vm7, v7, v3;
	v7 =	vimm.s32 $0x0;
	vm15 =	vgt.f32 v6, v4  }
0x1e: {  	v7 =	vsel vm15, $0xFFFFFFFF, v7  }
0x1f: {  	vm6 =	vgt.f32 v6, v3;
	v4 =	vsel vm15, v6, v4;
	[tilespmem:$0x1FF40] =	vst v7;
	v7 =	vld [tilespmem:s11+$0x300]  }
0x20: {  	v4 =	vsel vm6, v3, v4  }
0x21: {  	s30 =	sor.u32 s2, s2;
	v3 =	vsel vm6, v6, v3;
	v6 =	vimm.s32 $0x0;
	vm4 =	vgt.f32 v5, v4  }
0x22: {  	s12 =	sor.u32 $0x380, s30;
	vm10 =	vgt.f32 v5, v3;
	v6 =	vsel vm4, $0xFFFFFFFF, v6;
	v4 =	vsel vm4, v5, v4  }
0x23: {  	[tilespmem:$0x1FF50] =	vst v6;
	v6 =	vld [tilespmem:s12+$0x0];
	v4 =	vsel vm10, v3, v4  }
0x24: {  	v3 =	vsel vm10, v5, v3;
	v5 =	vimm.s32 $0x0;
	vm5 =	vgt.f32 v7, v4  }
0x25: {  	v5 =	vsel vm5, $0xFFFFFFFF, v5  }
0x26: {  	vm11 =	vgt.f32 v7, v3;
	v4 =	vsel vm5, v7, v4;
	[tilespmem:$0x1FF60] =	vst v5;
	v5 =	vld [tilespmem:s11+$0x800]  }
0x27: {  	v4 =	vsel vm11, v3, v4  }
0x28: {  	v3 =	vsel vm11, v7, v3;
	v7 =	vimm.s32 $0x0;
	vm9 =	vgt.f32 v6, v4  }
0x29: {  	vm13 =	vgt.f32 v6, v3;
	v7 =	vsel vm9, $0xFFFFFFFF, v7;
	v4 =	vsel vm9, v6, v4  }
0x2a: {  	[tilespmem:$0x1FF70] =	vst v7;
	v7 =	vld [tilespmem:s11+$0x880];
	v4 =	vsel vm13, v3, v4  }
0x2b: {  	v3 =	vsel vm13, v6, v3;
	v6 =	vimm.s32 $0x0;
	vm15 =	vgt.f32 v5, v4  }
0x2c: {  	v6 =	vsel vm15, $0xFFFFFFFF, v6  }
0x2d: {  	v4 =	vsel vm15, v5, v4;
	vm15 =	vgt.f32 v5, v3;
	[tilespmem:$0x1FF80] =	vst v6;
	v6 =	vld [tilespmem:s11+$0x900]  }
0x2e: {  	v4 =	vsel vm15, v3, v4  }
0x2f: {  	v3 =	vsel vm15, v5, v3;
	v5 =	vimm.s32 $0x0;
	vm4 =	vgt.f32 v7, v4  }
0x30: {  	vm9 =	vgt.f32 v7, v3;
	v5 =	vsel vm4, $0xFFFFFFFF, v5;
	v4 =	vsel vm4, v7, v4  }
0x31: {  	[tilespmem:$0x1FF90] =	vst v5;
	v5 =	vld [tilespmem:s11+$0x980];
	v4 =	vsel vm9, v3, v4  }
0x32: {  	v3 =	vsel vm9, v7, v3;
	v7 =	vimm.s32 $0x0;
	vm5 =	vgt.f32 v6, v4  }
0x33: {  	v7 =	vsel vm5, $0xFFFFFFFF, v7  }
0x34: {  	vm3 =	vgt.f32 v6, v3;
	v4 =	vsel vm5, v6, v4;
	[tilespmem:$0x1FFA0] =	vst v7;
	v7 =	vld [tilespmem:s11+$0xA00]  }
0x35: {  	v4 =	vsel vm3, v3, v4  }
0x36: {  	v3 =	vsel vm3, v6, v3;
	v6 =	vimm.s32 $0x0;
	vm4 =	vgt.f32 v5, v4  }
0x37: {  	v6 =	vsel vm4, $0xFFFFFFFF, v6;
	v4 =	vsel vm4, v5, v4;
	vm4 =	vgt.f32 v5, v3  }
0x38: {  	[tilespmem:$0x1FFB0] =	vst v6;
	v6 =	vld [tilespmem:s11+$0xA80];
	v4 =	vsel vm4, v3, v4  }
0x39: {  	v3 =	vsel vm4, v5, v3;
	v5 =	vimm.s32 $0x0;
	vm5 =	vgt.f32 v7, v4  }
0x3a: {  	v5 =	vsel vm5, $0xFFFFFFFF, v5  }
0x3b: {  	vm2 =	vgt.f32 v7, v3;
	v4 =	vsel vm5, v7, v4;
	[tilespmem:$0x1FFC0] =	vst v5;
	v5 =	vld [tilespmem:s11+$0xB00]  }
0x3c: {  	v4 =	vsel vm2, v3, v4  }
0x3d: {  	v3 =	vsel vm2, v7, v3;
	v7 =	vimm.s32 $0x0;
	vm5 =	vgt.f32 v6, v4  }
0x3e: {  	v7 =	vsel vm5, $0xFFFFFFFF, v7;
	v4 =	vsel vm5, v6, v4;
	vm5 =	vgt.f32 v6, v3  }
0x3f: {  	v4 =	vsel vm5, v3, v4  }
0x40: {  	v3 =	vsel vm5, v6, v3;
	v6 =	vimm.s32 $0x0;
	vm1 =	vgt.f32 v5, v4  }
0x41: {  	v6 =	vsel vm1, $0xFFFFFFFF, v6  }
0x42: {  	[tilespmem:$0x1FFE0] =	vst v6;
	v6 =	vld [tilespmem:$0x1FF10];
	_ =	sdelay $0x2  }
0x43: {  	[tilespmem:$0x1FFD0] =	vst v7;
	v7 =	vld [tilespmem:s11+$0xB80];
	_ =	sdelay $0x1  }
0x44: {  	vm0 =	vnez.u8 v6  }
0x45: {  	v4 =	vsel vm1, v5, v4;
	vm0 =	vmand vm8, vm0;
	vm8 =	vgt.f32 v5, v3  }
0x46: {  	v4 =	vsel vm8, v3, v4  }
0x47: {  	v3 =	vsel vm8, v5, v3;
	v5 =	vimm.s32 $0x0;
	vm1 =	vgt.f32 v7, v4  }
0x48: {  	v5 =	vsel vm1, $0xFFFFFFFF, v5  }
0x49: {  	[tilespmem:$0x1FFF0] =	vst v5;
	v5 =	vld [tilespmem:$0x1FF20];
	_ =	sdelay $0x4  }
0x4a: {  	v8 =	vsel vm12, $0x1, v0;
	v6 =	vsel vm0, $0x1, v0;
	vm12 =	vnez.u8 v5  }
0x4b: {  	v5 =	vsel vm12, $0x2, v6;
	v6 =	vld [tilespmem:$0x1FF30];
	_ =	sdelay $0x3  }
0x4c: {  	vm0 =	vgt.f32 v7, v3;
	v4 =	vsel vm1, v7, v4  }
0x4d: {  	v4 =	vsel vm0, v3, v4;
	v5 =	vsel vm14, v8, v5;
	vm1 =	vnez.u8 v6  }
0x4e: {  	v3 =	vsel vm0, v7, v3;
	v6 =	vsel vm14, $0x2, v8;
	v5 =	vsel vm1, $0x3, v5  }
0x4f: {  	v3 =	vsub.f32 v4, v3;
	v4 =	vsel vm7, v6, v5;
	v5 =	vsel vm7, $0x3, v6;
	v6 =	vld [tilespmem:$0x1FF40];
	_ =	sdelay $0x4  }
0x50: {  	vm14 =	vnez.u8 v6;
	v6 =	vld [tilespmem:$0x1FF50];
	_ =	sdelay $0x3  }
0x51: {  	v4 =	vsel vm14, $0x4, v4  }
0x52: {  	v3 =	vmul.f32 $1.442695020e+00, v3;
	v4 =	vsel vm6, v5, v4;
	vm1 =	vnez.u8 v6  }
0x53: {  	v5 =	vsel vm6, $0x4, v5;
	v4 =	vsel vm1, $0x5, v4  }
0x54: {  	(erf) = vpow2.f32 v3;
	v3 =	vsel vm10, v5, v4;
	v4 =	vsel vm10, $0x5, v5;
	v5 =	vld [tilespmem:$0x1FF60];
	_ =	sdelay $0x4  }
0x55: {  	vm12 =	vnez.u8 v5;
	v5 =	vld [tilespmem:$0x1FF70];
	_ =	sdelay $0x4  }
0x56: {  	vm14 =	vnez.u8 v5;
	v5 =	vld [tilespmem:$0x1FF80]  }
0x57: {  	v6 =	vld [tilespmem:$0x1FFA0];
	_ =	sdelay $0x3  }
0x58: {  	v3 =	vsel vm12, $0x6, v3;
	vm6 =	vnez.u8 v5;
	v5 =	vld [tilespmem:$0x1FF90]  }
0x59: {  	vm10 =	vnez.u8 v6;
	v6 =	vld [tilespmem:$0x1FFB0];
	v3 =	vsel vm11, v4, v3  }
0x5a: {  	v4 =	vsel vm11, $0x6, v4;
	v3 =	vsel vm14, $0x7, v3  }
0x5b: {  	v3 =	vsel vm13, v4, v3  }
0x5c: {  	v4 =	vsel vm13, $0x7, v4;
	v3 =	vsel vm6, $0x8, v3  }
0x5d: {  	v3 =	vsel vm15, v4, v3;
	vm7 =	vnez.u8 v5  }
0x5e: {  	vm11 =	vnez.u8 v6;
	v6 =	vld [tilespmem:$0x1FFC0];
	v4 =	vsel vm15, $0x8, v4;
	v3 =	vsel vm7, $0x9, v3  }
0x5f: {  	v3 =	vsel vm9, v4, v3  }
0x60: {  	v7 =	vld [tilespmem:$0x1FFD0];
	v4 =	vsel vm9, $0x9, v4;
	v3 =	vsel vm10, $0xA, v3  }
0x61: {  	v5 =	vpop (erf);
	v3 =	vsel vm3, v4, v3  }
0x62: {  	v5 =	vadd.f32 $1.000000000e+00, v5;
	v4 =	vsel vm3, $0xA, v4;
	v3 =	vsel vm11, $0xB, v3  }
0x63: {  	vm12 =	vnez.u8 v6;
	v3 =	vsel vm4, v4, v3  }
0x64: {  	(erf) = vrcp.f32 v5;
	v5 =	vsel vm4, $0xB, v4;
	v3 =	vsel vm12, $0xC, v3  }
0x65: {  	vm13 =	vnez.u8 v7;
	v3 =	vsel vm2, v5, v3  }
0x66: {  	s31 =	simm.s32 $0x1080;
	v4 =	vsel vm2, $0xC, v5;
	v3 =	vsel vm13, $0xD, v3  }
0x67: {  	[tilespmem:s31+$0xFFFFFFF0] =	vst v1;
	v6 =	vsel vm5, $0xD, v4;
	v3 =	vsel vm5, v4, v3;
	v4 =	vld [tilespmem:$0x1FFE0]  }
0x68: {  	[tilespmem:s31+$0x0] =	vst v1  }
0x69: {  	[tilespmem:s31+$0x10] =	vst v1  }
0x6a: {  	[tilespmem:s31+$0x20] =	vst v1  }
0x6b: {  	[tilespmem:s31+$0xFFFFFFE0] =	vst v1  }
0x6c: {  	[tilespmem:s31+$0x30] =	vst v1;
	vm14 =	vnez.u8 v4;
	v4 =	vld [tilespmem:$0x1FFF0]  }
0x6d: {  	[tilespmem:s31+$0x40] =	vst v1  }
0x6e: {  	[tilespmem:s31+$0x50] =	vst v1  }
0x6f: {  	[tilespmem:s31+$0xFFFFFFA0] =	vst v1  }
0x70: {  	v63 =	vor.u32 s2, v2;
	[tilespmem:s31+$0x60] =	vst v1;
	v5 =	vsel vm8, $0xE, v6;
	v3 =	vsel vm14, $0xE, v3  }
0x71: {  	[tilespmem:s31+$0xFFFFFF80] =	vst v1;
	v7 =	vsel vm0, $0xF, v5;
	v3 =	vsel vm8, v6, v3;
	vm15 =	vnez.u8 v4  }
0x72: {  	[tilespmem:s31+$0xFFFFFF90] =	vst v1;
	v7 =	vadd.s32 v63, v7;
	v3 =	vsel vm15, $0xF, v3  }
0x73: {  	[tilespmem:s31+$0xFFFFFFB0] =	vst v1;
	v3 =	vsel vm0, v5, v3  }
0x74: {  	[tilespmem:s31+$0xFFFFFFC0] =	vst v1;
	v3 =	vadd.s32 v63, v3  }
0x75: {  	s13 =	simm.s32 $0x10;
	[tilespmem:s31+$0xFFFFFFD0] =	vst v1  }
0x76: {  	s17 =	simm.s32 $0x20;
	s14 =	simm.s32 $0x80;
	s16 =	sand.u32 $0x70, s13;
	[tilespmem:s31+$0x70] =	vst v1;
	v5 =	vpop (erf)  }
0x77: {  	s18 =	sand.u32 $0x400, s14;
	s12 =	simm.s32 $0x0;
	s11 =	simm.s32 $0x1180;
	v4 =	vsub.f32 $1.000000000e+00, v5;
	[tilespmem:v7+s9+$0x0] =	vst.idx.msk $0xffff, v5  }
.LBB2_2:
0x78: {  	s16 =	sor.u32 s16, s18  }
0x79: {  	[tilespmem:v3+s9+$0x0] =	vst.idx.msk $0xffff, v4;
	s12 =	sadd.s32 $0x100, s12;
	s18 =	smov.u32 s17;
	s15 =	sadd.s32 $0x10, s17  }
0x7a: {  	p0 =	sne.s32 s17, $0xF0;
	v3 =	vld [tilespmem:s16+$0x80]  }
0x7b: {  	v4 =	vld [tilespmem:s16+$0x0];
	_ =	sdelay $0x2  }
0x7c: {  	v5 =	vld [tilespmem:s16+$0x100]  }
0x7d: {  	vm0 =	vlt.f32 v3, $-Inf;
	vm1 =	vgt.f32 v3, $-Inf  }
0x7e: {  	vm2 =	vgt.f32 v3, v4;
	vm0 =	vmor vm1, vm0  }
0x7f: {  	vm1 =	vmneg vm2;
	v6 =	vnsel vm0, $0xFF800000, v3;
	v7 =	vld [tilespmem:s16+$0x180]  }
0x80: {  	vm0 =	vmand vm1, vm0;
	v6 =	vsel vm1, v6, v4;
	v3 =	vsel vm1, v4, v3  }
0x81: {  	vm1 =	vgt.f32 v5, v6  }
0x82: {  	v4 =	vsel vm0, $0x1, v0;
	vm0 =	vgt.f32 v5, v3;
	v6 =	vsel vm1, v5, v6;
	v8 =	vld [tilespmem:s16+$0x200]  }
0x83: {  	v9 =	vsel vm2, $0x1, v0;
	v4 =	vsel vm1, $0x2, v4;
	v6 =	vsel vm0, v3, v6  }
0x84: {  	v4 =	vsel vm0, v9, v4;
	v3 =	vsel vm0, v5, v3;
	vm1 =	vgt.f32 v7, v6  }
0x85: {  	vm2 =	vgt.f32 v7, v3;
	v4 =	vsel vm1, $0x3, v4;
	v5 =	vsel vm1, v7, v6;
	v6 =	vld [tilespmem:s16+$0x280]  }
0x86: {  	v9 =	vsel vm0, $0x2, v9;
	v5 =	vsel vm2, v3, v5  }
0x87: {  	v4 =	vsel vm2, v9, v4;
	v3 =	vsel vm2, v7, v3;
	vm0 =	vgt.f32 v8, v5  }
0x88: {  	v7 =	vsel vm2, $0x3, v9;
	vm1 =	vgt.f32 v8, v3;
	v5 =	vsel vm0, v8, v5;
	v9 =	vld [tilespmem:s16+$0x300]  }
0x89: {  	s17 =	sor.u32 s14, s13;
	s13 =	smov.u32 s18;
	v4 =	vsel vm0, $0x4, v4;
	v5 =	vsel vm1, v3, v5;
	v3 =	vsel vm1, v8, v3  }
0x8a: {  	s17 =	sor.u32 $0x380, s17;
	v4 =	vsel vm1, v7, v4;
	v7 =	vsel vm1, $0x4, v7;
	vm0 =	vgt.f32 v6, v5  }
0x8b: {  	vm1 =	vgt.f32 v6, v3;
	v4 =	vsel vm0, $0x5, v4;
	v5 =	vsel vm0, v6, v5;
	v8 =	vld [tilespmem:s17+$0x0]  }
0x8c: {  	v4 =	vsel vm1, v7, v4;
	v5 =	vsel vm1, v3, v5;
	v3 =	vsel vm1, v6, v3  }
0x8d: {  	v6 =	vsel vm1, $0x5, v7;
	vm0 =	vgt.f32 v9, v5  }
0x8e: {  	vm1 =	vgt.f32 v9, v3;
	v4 =	vsel vm0, $0x6, v4;
	v5 =	vsel vm0, v9, v5;
	v7 =	vld [tilespmem:s16+$0x800]  }
0x8f: {  	v4 =	vsel vm1, v6, v4;
	v5 =	vsel vm1, v3, v5;
	v3 =	vsel vm1, v9, v3  }
0x90: {  	v6 =	vsel vm1, $0x6, v6;
	vm0 =	vgt.f32 v8, v5  }
0x91: {  	vm1 =	vgt.f32 v8, v3;
	v4 =	vsel vm0, $0x7, v4;
	v5 =	vsel vm0, v8, v5;
	v9 =	vld [tilespmem:s16+$0x880]  }
0x92: {  	v4 =	vsel vm1, v6, v4;
	v5 =	vsel vm1, v3, v5;
	v3 =	vsel vm1, v8, v3  }
0x93: {  	vm0 =	vgt.f32 v7, v5  }
0x94: {  	vm2 =	vgt.f32 v7, v3;
	v4 =	vsel vm0, $0x8, v4;
	v5 =	vsel vm0, v7, v5;
	v8 =	vld [tilespmem:s16+$0x900]  }
0x95: {  	v6 =	vsel vm1, $0x7, v6;
	v5 =	vsel vm2, v3, v5;
	v3 =	vsel vm2, v7, v3  }
0x96: {  	v4 =	vsel vm2, v6, v4;
	vm0 =	vgt.f32 v9, v5  }
0x97: {  	vm1 =	vgt.f32 v9, v3;
	v4 =	vsel vm0, $0x9, v4;
	v5 =	vsel vm0, v9, v5;
	v7 =	vld [tilespmem:s16+$0x980]  }
0x98: {  	v6 =	vsel vm2, $0x8, v6;
	v5 =	vsel vm1, v3, v5;
	v3 =	vsel vm1, v9, v3  }
0x99: {  	v4 =	vsel vm1, v6, v4;
	v6 =	vsel vm1, $0x9, v6;
	vm0 =	vgt.f32 v8, v5  }
0x9a: {  	vm1 =	vgt.f32 v8, v3;
	v4 =	vsel vm0, $0xA, v4;
	v5 =	vsel vm0, v8, v5;
	v9 =	vld [tilespmem:s16+$0xA00]  }
0x9b: {  	v4 =	vsel vm1, v6, v4;
	v5 =	vsel vm1, v3, v5  }
0x9c: {  	v6 =	vsel vm1, $0xA, v6;
	v3 =	vsel vm1, v8, v3;
	vm0 =	vgt.f32 v7, v5  }
0x9d: {  	vm1 =	vgt.f32 v7, v3;
	v4 =	vsel vm0, $0xB, v4;
	v5 =	vsel vm0, v7, v5;
	v8 =	vld [tilespmem:s16+$0xA80]  }
0x9e: {  	v4 =	vsel vm1, v6, v4;
	v5 =	vsel vm1, v3, v5;
	v3 =	vsel vm1, v7, v3  }
0x9f: {  	v6 =	vsel vm1, $0xB, v6;
	vm0 =	vgt.f32 v9, v5;
	v7 =	vld [tilespmem:s16+$0xB80]  }
0xa0: {  	vm1 =	vgt.f32 v9, v3;
	v4 =	vsel vm0, $0xC, v4;
	v5 =	vsel vm0, v9, v5;
	v10 =	vld [tilespmem:s16+$0xB00]  }
0xa1: {  	v4 =	vsel vm1, v6, v4;
	v5 =	vsel vm1, v3, v5;
	v3 =	vsel vm1, v9, v3;
	[tilespmem:s11+$0xFFFFFFF0] =	vst v1  }
0xa2: {  	v6 =	vsel vm1, $0xC, v6;
	vm0 =	vgt.f32 v8, v5;
	[tilespmem:s11+$0x0] =	vst v1  }
0xa3: {  	vm1 =	vgt.f32 v8, v3;
	v4 =	vsel vm0, $0xD, v4;
	v5 =	vsel vm0, v8, v5;
	[tilespmem:s11+$0x10] =	vst v1  }
0xa4: {  	v4 =	vsel vm1, v6, v4;
	v5 =	vsel vm1, v3, v5;
	v3 =	vsel vm1, v8, v3;
	[tilespmem:s11+$0x20] =	vst v1  }
0xa5: {  	v6 =	vsel vm1, $0xD, v6;
	vm0 =	vgt.f32 v10, v5;
	[tilespmem:s11+$0xFFFFFFE0] =	vst v1  }
0xa6: {  	vm1 =	vgt.f32 v10, v3;
	v4 =	vsel vm0, $0xE, v4;
	v5 =	vsel vm0, v10, v5;
	[tilespmem:s11+$0x30] =	vst v1  }
0xa7: {  	v4 =	vsel vm1, v6, v4;
	v5 =	vsel vm1, v3, v5;
	v3 =	vsel vm1, v10, v3;
	[tilespmem:s11+$0x40] =	vst v1  }
0xa8: {  	v6 =	vsel vm1, $0xE, v6;
	vm0 =	vgt.f32 v7, v5;
	[tilespmem:s11+$0x50] =	vst v1  }
0xa9: {  	vm1 =	vgt.f32 v7, v3;
	v4 =	vsel vm0, $0xF, v4;
	v5 =	vsel vm0, v7, v5;
	[tilespmem:s11+$0xFFFFFFA0] =	vst v1  }
0xaa: {  	v8 =	vsel vm1, $0xF, v6;
	v5 =	vsel vm1, v3, v5;
	v3 =	vsel vm1, v7, v3;
	[tilespmem:s11+$0x60] =	vst v1  }
0xab: {  	v4 =	vsel vm1, v6, v4;
	v3 =	vsub.f32 v5, v3;
	[tilespmem:s11+$0xFFFFFF80] =	vst v1  }
0xac: {  	[tilespmem:s11+$0xFFFFFF90] =	vst v1  }
0xad: {  	v3 =	vmul.f32 $1.442695020e+00, v3;
	[tilespmem:s11+$0xFFFFFFB0] =	vst v1  }
0xae: {  	[tilespmem:s11+$0xFFFFFFC0] =	vst v1  }
0xaf: {  	[tilespmem:s11+$0xFFFFFFD0] =	vst v1;
	(erf) = vpow2.f32 v3  }
0xb0: {  	[tilespmem:s11+$0x70] =	vst v1;
	_ =	sdelay $0x7  }
0xb1: {  	v3 =	vpop (erf)  }
0xb2: {  	v3 =	vadd.f32 $1.000000000e+00, v3;
	_ =	sdelay $0x1  }
0xb3: {  	(erf) = vrcp.f32 v3;
	_ =	sdelay $0x3  }
0xb4: {  	v3 =	vor.u32 s12, v2  }
0xb5: {  	v5 =	vadd.s32 v3, v8;
	_ =	sdelay $0x1  }
.Ltmp0:
0xb6: {  	v3 =	vadd.s32 v3, v4;
	(pc) =	sbr.rel @p0 .LBB2_2-.Ltmp0, $4  }
0xb7: {  	_ = 	snop  }
0xb8: {  	s14 =	sadd.s32 $0x80, s14;
	v6 =	vpop (erf)  }
0xb9: {  	s18 =	sand.u32 $0x400, s14;
	v4 =	vsub.f32 $1.000000000e+00, v6;
	[tilespmem:v5+s9+$0x0] =	vst.idx.msk $0xffff, v6  }
0xba: {  	s17 =	smov.u32 s15;
	s16 =	sand.u32 $0x70, s13;
	s11 =	sadd.s32 $0x100, s11  }
0xbb: {  	_ =	sdelay $0x3  }
0xbc: {  	s15 =	sor.u32 s16, s18;
	[tilespmem:v3+s9+$0x0] =	vst.idx.msk $0xffff, v4  }
0xbd: {  	v3 =	vld [tilespmem:s15+$0x80]  }
0xbe: {  	v4 =	vld [tilespmem:s15+$0x0];
	_ =	sdelay $0x2  }
0xbf: {  	v5 =	vld [tilespmem:s15+$0x100]  }
0xc0: {  	vm0 =	vlt.f32 v3, $-Inf;
	vm1 =	vgt.f32 v3, $-Inf  }
0xc1: {  	v6 =	vimm.s32 $0x0;
	vm11 =	vgt.f32 v3, v4;
	vm0 =	vmor vm1, vm0  }
0xc2: {  	v7 =	vld [tilespmem:s15+$0x180];
	vm13 =	vmneg vm11;
	v6 =	vsel vm0, $0xFFFFFFFF, v6;
	v16 =	vnsel vm0, $0xFF800000, v3  }
0xc3: {  	[tilespmem:$0x1FE50] =	vst v6;
	v6 =	vsel vm13, v16, v4  }
0xc4: {  	v3 =	vsel vm13, v4, v3;
	vm14 =	vgt.f32 v5, v6  }
0xc5: {  	v18 =	vld [tilespmem:s15+$0x200];
	vm9 =	vgt.f32 v5, v3;
	v17 =	vsel vm14, v5, v6  }
0xc6: {  	v4 =	vsel vm9, v3, v17  }
0xc7: {  	v3 =	vsel vm9, v5, v3;
	vm10 =	vgt.f32 v7, v4  }
0xc8: {  	v20 =	vld [tilespmem:s15+$0x280];
	vm6 =	vgt.f32 v7, v3;
	v4 =	vsel vm10, v7, v4  }
0xc9: {  	v4 =	vsel vm6, v3, v4  }
0xca: {  	v19 =	vimm.s32 $0x0;
	v3 =	vsel vm6, v7, v3;
	vm12 =	vgt.f32 v18, v4  }
0xcb: {  	v22 =	vld [tilespmem:s15+$0x300];
	v5 =	vsel vm10, $0xFFFFFFFF, v19;
	vm10 =	vgt.f32 v18, v3;
	v4 =	vsel vm12, v18, v4  }
0xcc: {  	s13 =	sor.u32 s14, s13;
	v4 =	vsel vm10, v3, v4  }
0xcd: {  	s13 =	sor.u32 $0x380, s13;
	v3 =	vsel vm10, v18, v3;
	vm15 =	vgt.f32 v20, v4  }
0xce: {  	v24 =	vld [tilespmem:s13+$0x0];
	vm5 =	vgt.f32 v20, v3;
	v4 =	vsel vm15, v20, v4  }
0xcf: {  	v4 =	vsel vm5, v3, v4  }
0xd0: {  	v3 =	vsel vm5, v20, v3;
	vm4 =	vgt.f32 v22, v4  }
0xd1: {  	v26 =	vld [tilespmem:s15+$0x800];
	vm8 =	vgt.f32 v22, v3;
	v4 =	vsel vm4, v22, v4  }
0xd2: {  	v4 =	vsel vm8, v3, v4  }
0xd3: {  	v21 =	vimm.s32 $0x0;
	v3 =	vsel vm8, v22, v3;
	vm7 =	vgt.f32 v24, v4  }
0xd4: {  	v28 =	vld [tilespmem:s15+$0x880];
	v7 =	vsel vm12, $0xFFFFFFFF, v21;
	vm12 =	vgt.f32 v24, v3;
	v4 =	vsel vm7, v24, v4  }
0xd5: {  	v23 =	vimm.s32 $0x0;
	v29 =	vimm.s32 $0x0;
	v4 =	vsel vm12, v3, v4  }
0xd6: {  	v6 =	vsel vm15, $0xFFFFFFFF, v23;
	v3 =	vsel vm12, v24, v3;
	vm15 =	vgt.f32 v26, v4  }
0xd7: {  	v30 =	vld [tilespmem:s15+$0x900];
	[tilespmem:$0x1FE80] =	vst v6;
	v6 =	vsel vm15, $0xFFFFFFFF, v29;
	v4 =	vsel vm15, v26, v4;
	vm15 =	vgt.f32 v26, v3  }
0xd8: {  	v25 =	vimm.s32 $0x0;
	v4 =	vsel vm15, v3, v4  }
0xd9: {  	[tilespmem:$0x1FE60] =	vst v5;
	v5 =	vsel vm4, $0xFFFFFFFF, v25;
	v3 =	vsel vm15, v26, v3;
	vm4 =	vgt.f32 v28, v4  }
0xda: {  	v32 =	vld [tilespmem:s15+$0x980];
	vm3 =	vgt.f32 v28, v3;
	v4 =	vsel vm4, v28, v4  }
0xdb: {  	v27 =	vimm.s32 $0x0;
	v31 =	vimm.s32 $0x0;
	v4 =	vsel vm3, v3, v4  }
0xdc: {  	[tilespmem:$0x1FE70] =	vst v7;
	v7 =	vsel vm7, $0xFFFFFFFF, v27;
	v3 =	vsel vm3, v28, v3;
	vm7 =	vgt.f32 v30, v4  }
0xdd: {  	v33 =	vimm.s32 $0x0;
	v34 =	vld [tilespmem:s15+$0xA00];
	vm2 =	vgt.f32 v30, v3;
	v4 =	vsel vm7, v30, v4  }
0xde: {  	v35 =	vimm.s32 $0x0;
	v37 =	vimm.s32 $0x0;
	v4 =	vsel vm2, v3, v4  }
0xdf: {  	v40 =	vld [tilespmem:$0x1FE50];
	[tilespmem:$0x1FE90] =	vst v5;
	v5 =	vsel vm4, $0xFFFFFFFF, v31;
	v3 =	vsel vm2, v30, v3;
	vm4 =	vgt.f32 v32, v4  }
0xe0: {  	v36 =	vld [tilespmem:s15+$0xA80];
	[tilespmem:$0x1FEB0] =	vst v6;
	v6 =	vsel vm4, $0xFFFFFFFF, v35;
	v4 =	vsel vm4, v32, v4;
	vm4 =	vgt.f32 v32, v3  }
0xe1: {  	v39 =	vimm.s32 $0x0;
	v9 =	vsel vm11, $0x1, v0;
	v4 =	vsel vm4, v3, v4  }
0xe2: {  	[tilespmem:$0x1FEA0] =	vst v7;
	v7 =	vsel vm7, $0xFFFFFFFF, v33;
	v3 =	vsel vm4, v32, v3;
	vm7 =	vgt.f32 v34, v4  }
0xe3: {  	v38 =	vld [tilespmem:s15+$0xB00];
	[tilespmem:$0x1FEC0] =	vst v5;
	v5 =	vsel vm7, $0xFFFFFFFF, v37;
	v4 =	vsel vm7, v34, v4;
	vm7 =	vgt.f32 v34, v3  }
0xe4: {  	v44 =	vsel vm9, $0x2, v9;
	vm0 =	vnez.u8 v40;
	v43 =	vld [tilespmem:$0x1FE60];
	v4 =	vsel vm7, v3, v4  }
0xe5: {  	vm0 =	vmand vm13, vm0;
	v46 =	vld [tilespmem:$0x1FE70];
	v3 =	vsel vm7, v34, v3;
	vm1 =	vgt.f32 v36, v4  }
0xe6: {  	v41 =	vld [tilespmem:s15+$0xB80];
	v8 =	vsel vm0, $0x1, v0;
	vm13 =	vgt.f32 v36, v3;
	v4 =	vsel vm1, v36, v4  }
0xe7: {  	v45 =	vsel vm6, $0x3, v44;
	v8 =	vsel vm14, $0x2, v8;
	v4 =	vsel vm13, v3, v4  }
0xe8: {  	[tilespmem:$0x1FED0] =	vst v7;
	v7 =	vsel vm1, $0xFFFFFFFF, v39;
	v3 =	vsel vm13, v36, v3;
	vm1 =	vgt.f32 v38, v4  }
0xe9: {  	v42 =	vsel vm9, v9, v8;
	v48 =	vld [tilespmem:$0x1FE80];
	vm0 =	vgt.f32 v38, v3;
	v4 =	vsel vm1, v38, v4  }
0xea: {  	vm11 =	vnez.u8 v43;
	vm9 =	vnez.u8 v46;
	v4 =	vsel vm0, v3, v4  }
0xeb: {  	v49 =	vld [tilespmem:$0x1FE90];
	[tilespmem:$0x1FEE0] =	vst v6;
	v6 =	vsel vm11, $0x3, v42;
	v3 =	vsel vm0, v38, v3;
	vm11 =	vgt.f32 v41, v4  }
0xec: {  	v6 =	vsel vm6, v44, v6;
	vm6 =	vgt.f32 v41, v3;
	v4 =	vsel vm11, v41, v4  }
0xed: {  	v51 =	vld [tilespmem:$0x1FEA0];
	v6 =	vsel vm9, $0x4, v6;
	v4 =	vsel vm6, v3, v4;
	v3 =	vsel vm6, v41, v3  }
0xee: {  	vm14 =	vnez.u8 v48;
	v47 =	vsel vm10, v45, v6;
	v3 =	vsub.f32 v4, v3  }
0xef: {  	v52 =	vld [tilespmem:$0x1FEB0];
	[tilespmem:$0x1FEF0] =	vst v5;
	v5 =	vsel vm10, $0x4, v45;
	v4 =	vsel vm14, $0x5, v47  }
0xf0: {  	vm10 =	vnez.u8 v49;
	v4 =	vsel vm5, v5, v4;
	v3 =	vmul.f32 $1.442695020e+00, v3  }
0xf1: {  	v53 =	vld [tilespmem:$0x1FEC0];
	v5 =	vsel vm5, $0x5, v5;
	v4 =	vsel vm10, $0x6, v4  }
0xf2: {  	vm14 =	vnez.u8 v51;
	(erf) = vpow2.f32 v3;
	v3 =	vsel vm8, v5, v4  }
0xf3: {  	v54 =	vld [tilespmem:$0x1FED0];
	v50 =	vsel vm8, $0x6, v5;
	v3 =	vsel vm14, $0x7, v3  }
0xf4: {  	vm8 =	vnez.u8 v52;
	v3 =	vsel vm12, v50, v3  }
0xf5: {  	v55 =	vld [tilespmem:$0x1FEE0];
	v4 =	vsel vm12, $0x7, v50;
	v3 =	vsel vm8, $0x8, v3  }
0xf6: {  	vm9 =	vnez.u8 v53;
	v3 =	vsel vm15, v4, v3  }
0xf7: {  	v57 =	vld [tilespmem:$0x1FEF0];
	v4 =	vsel vm15, $0x8, v4;
	v3 =	vsel vm9, $0x9, v3  }
0xf8: {  	[tilespmem:$0x1FF00] =	vst v7;
	vm10 =	vnez.u8 v54;
	v3 =	vsel vm3, v4, v3  }
0xf9: {  	[tilespmem:s11+$0xFFFFFFF0] =	vst v1;
	v58 =	vld [tilespmem:$0x1FF00];
	v4 =	vsel vm3, $0x9, v4;
	v3 =	vsel vm10, $0xA, v3  }
0xfa: {  	[tilespmem:s11+$0x0] =	vst v1;
	vm12 =	vnez.u8 v55;
	v3 =	vsel vm2, v4, v3  }
0xfb: {  	[tilespmem:s11+$0x10] =	vst v1;
	v4 =	vsel vm2, $0xA, v4;
	v3 =	vsel vm12, $0xB, v3;
	v56 =	vpop (erf)  }
0xfc: {  	[tilespmem:s11+$0x20] =	vst v1;
	vm14 =	vnez.u8 v57;
	v3 =	vsel vm4, v4, v3;
	v5 =	vadd.f32 $1.000000000e+00, v56  }
0xfd: {  	[tilespmem:s11+$0xFFFFFFE0] =	vst v1;
	v4 =	vsel vm4, $0xB, v4;
	v3 =	vsel vm14, $0xC, v3  }
0xfe: {  	[tilespmem:s11+$0x30] =	vst v1;
	vm15 =	vnez.u8 v58;
	(erf) = vrcp.f32 v5;
	v3 =	vsel vm7, v4, v3  }
0xff: {  	[tilespmem:s11+$0x40] =	vst v1;
	v4 =	vsel vm7, $0xC, v4;
	v3 =	vsel vm15, $0xD, v3  }
0x100: {  	[tilespmem:s11+$0x50] =	vst v1;
	v3 =	vsel vm13, v4, v3  }
0x101: {  	[tilespmem:s11+$0xFFFFFFA0] =	vst v1;
	v4 =	vsel vm13, $0xD, v4;
	v3 =	vsel vm1, $0xE, v3  }
0x102: {  	s12 =	sadd.s32 $0x100, s12;
	[tilespmem:s11+$0x60] =	vst v1;
	v3 =	vsel vm0, v4, v3;
	v4 =	vsel vm0, $0xE, v4  }
0x103: {  	v60 =	vor.u32 s12, v2;
	[tilespmem:s11+$0xFFFFFF80] =	vst v1;
	v3 =	vsel vm11, $0xF, v3;
	v59 =	vsel vm6, $0xF, v4  }
0x104: {  	[tilespmem:s11+$0xFFFFFF90] =	vst v1;
	v3 =	vsel vm6, v4, v3;
	v61 =	vadd.s32 v60, v59  }
0x105: {  	[tilespmem:s11+$0xFFFFFFB0] =	vst v1;
	v3 =	vadd.s32 v60, v3  }
0x106: {  	[tilespmem:s11+$0xFFFFFFC0] =	vst v1  }
0x107: {  	[tilespmem:s11+$0xFFFFFFD0] =	vst v1;
	v62 =	vpop (erf)  }
0x108: {  	s10 =	sadd.s32 $0x1, s10;
	[tilespmem:s11+$0x70] =	vst v1;
	v63 =	vsub.f32 $1.000000000e+00, v62  }
0x109: {  	p0 =	sne.s32 s10, s5;
	[tilespmem:v61+s9+$0x0] =	vst.idx.msk $0xffff, v62  }
.Ltmp1:
0x10a: {  	[tilespmem:v3+s9+$0x0] =	vst.idx.msk $0xffff, v63;
	(pc) =	sbr.rel @p0 .LBB2_1-.Ltmp1, $4  }
0x10b: {  	[hbm4b:s4+s2] =	stream.linear.scatter [tilespmem:s9], [sflag:$0x1], $0x1000, $0x38;
	[tilespmem:$0x2000] =	vst v63  }
0x10c: {  	_ =	swait.ge [sflag:s8], $0x1000  }
0x10d: {  	[sflag:s8] =	ssyncset.done $0x0  }
0x10e: {  	[sflag:s8] =	ssyncadd.s32 $0xFFFFF000  }
0x10f: {  	_ =	sfence.sel $0x180000  }
0x110: {  	[bflag:$0x0] =	sbarrier.arrive $0xFFFF  }
0x111: {  	p0 =	sne.s32 s1, $0x0;
	_ =	strace $0x90000047  }
0x112: {  	s0 =	sadd.s32 @!p0 $0x100000, s0;
	[bflag:$0x2] =	sbarrier.arrive $0xFFFF  }
0x113: {  	[sflag:s0] =	ssyncadd.tile.s32 @!p0 $0x1;
	_ =	shalt  }
.Lfunc_end2:
_tile_overlayer_lowered:
.L_overlay_start_2:
0x114: {  	(tag) =	ssettag $0x2  }
0x115: {  	s0 =	rddreg [dreg:$0x0];
	s2 =	stileid.u32  }
0x116: {  	s1 =	rddreg [dreg:$0x1];
	p0 =	sne.s32 s2, $0x0  }
0x117: {  	s3 =	rddreg [dreg:$0x2];
	[bflag:$0x3] =	sbarrier.arrive $0xFFFF;
	s2 =	simm.s32 @!p0 $0x1C01  }
0x118: {  	[timem:s3], [sflag:s2] =	dma.local @!p0 [hbm:s0], s1  }
0x119: {  	s0 =	simm.s32 @!p0 $0x1  }
0x11a: {  	_ =	swait.ge @!p0 [sflag:s0], s1  }
0x11b: {  	s1 =	ssub.s32 @!p0 $0x0, s1;
	[sflag:s0] =	ssyncset.done @!p0 $0x0  }
0x11c: {  	[sflag:s0] =	ssyncadd.s32 @!p0 s1  }
0x11d: {  	[bflag:$0x3] =	sbarrier.arrive $0xFFFF  }
0x11e: {  	_ =	shalt  }

</sc_bundles>
